<compile_context>
chip_gen: v7x
topology: tpu7x:2x2x1
jax: 0.10.2.dev20260603
libtpu: 0.0.44.dev20260713+nightly
codegen_flags: <defaults>
</compile_context>

<pallas_src>
import jax
import jax.numpy as jnp
from jax import lax
from jax.experimental import pallas as pl
from jax.experimental.pallas import tpu as pltpu
from jax.experimental.pallas import tpu_sc as plsc

_NC = 2
_NS = 16
_NW = _NC * _NS
_LANES = 16

_B = 4096
_L = 200
_V = 1000000
_D = 64
_CHUNK = 100
_GPR = _L // _CHUNK
_RING = 4

_TV = 16384
_NBLK = (_V + _TV - 1) // _TV
_VPAD = _NBLK * _TV


def _relayout_body(t_ref, o_ref):
  t = t_ref[...]
  quarters = []
  for q in range(4):
    tq = jnp.transpose(t[:, q * (_TV // 4):(q + 1) * (_TV // 4)])
    lo = tq[:, 0:_D // 2].astype(jnp.bfloat16)
    hi = tq[:, _D // 2:_D].astype(jnp.bfloat16)
    u_lo = lax.bitcast_convert_type(lo, jnp.uint16).astype(jnp.uint32)
    u_hi = lax.bitcast_convert_type(hi, jnp.uint16).astype(jnp.uint32)
    quarters.append(jnp.bitwise_or(jnp.left_shift(u_hi, 16), u_lo))
  o_ref[...] = jnp.concatenate(quarters, axis=1)


def _tc_relayout(tableT):
  out = pl.pallas_call(
      _relayout_body,
      grid=(_NBLK,),
      in_specs=[pl.BlockSpec((_D, _TV), lambda k: (0, k))],
      out_specs=pl.BlockSpec((_TV // 4, 2 * _D), lambda k: (k, 0)),
      out_shape=jax.ShapeDtypeStruct((_VPAD // 4, 2 * _D), jnp.uint32),
  )(tableT)
  return out.reshape(_VPAD, _D // 2)


def _sc_pool_body(table_hbm, idx_hbm, out_hbm, idx_all, bufs, pooled_v, sems):
  nb = _B // _NW
  ng = nb * _GPR
  wid = lax.axis_index("s") * _NC + lax.axis_index("c")
  base_i = wid * ng
  base_b = wid * nb

  pltpu.sync_copy(idx_hbm.at[pl.ds(base_i, ng)], idx_all)

  def remap(v):
    blk = jnp.bitwise_and(v, jnp.int32(~(_TV - 1)))
    r = lax.shift_left(jnp.bitwise_and(v, _TV // 4 - 1), 2)
    q = lax.shift_right_logical(jnp.bitwise_and(v, _TV - 1),
                                (_TV // 4).bit_length() - 1)
    return jnp.bitwise_or(jnp.bitwise_or(blk, r), q)

  tail_col = _CHUNK - _LANES

  def split(i, carry):
    def one(k, _):
      r = i * 4 + k
      vtail = idx_all[r, pl.ds(tail_col, _LANES)]
      for c in range(_CHUNK // _LANES):
        col = c * _LANES
        idx_all[r, pl.ds(col, _LANES)] = remap(
            idx_all[r, pl.ds(col, _LANES)])
      idx_all[r, pl.ds(tail_col, _LANES)] = remap(vtail)
      return 0
    return lax.fori_loop(0, 4, one, 0)

  lax.fori_loop(0, ng // 4, split, 0)

  def fire(g, t):
    pltpu.async_copy(table_hbm.at[idx_all.at[g]], bufs.at[t], sems.at[t])

  for t in range(_RING):
    fire(t, t)

  inv_l = jnp.float32(1.0 / _L)

  hi_mask = jnp.uint32(0xFFFF0000)

  def accum(buf, accs):
    def inner(i, accs):
      out = list(accs)
      for rr in range(4):
        r = i * 4 + rr
        w0 = buf[r, pl.ds(0, _LANES)]
        w1 = buf[r, pl.ds(_LANES, _LANES)]
        out[0] = out[0] + plsc.bitcast(lax.shift_left(w0, jnp.uint32(16)), jnp.float32)
        out[1] = out[1] + plsc.bitcast(lax.shift_left(w1, jnp.uint32(16)), jnp.float32)
        out[2] = out[2] + plsc.bitcast(
            jnp.bitwise_and(w0, hi_mask), jnp.float32)
        out[3] = out[3] + plsc.bitcast(
            jnp.bitwise_and(w1, hi_mask), jnp.float32)
      return tuple(out)
    return lax.fori_loop(0, _CHUNK // 4, inner, accs)

  def outer(j, carry):
    g0 = j * _RING
    accs = tuple(jnp.zeros((_LANES,), jnp.float32) for _ in range(4))
    for t in range(_RING):
      g = g0 + t
      pltpu.make_async_copy(
          table_hbm.at[idx_all.at[g0]], bufs.at[t], sems.at[t]).wait()
      accs = accum(bufs.at[t], accs)
      if t % _GPR == _GPR - 1:
        row = j * (_RING // _GPR) + t // _GPR
        for d in range(4):
          pooled_v[row, pl.ds(d * _LANES, _LANES)] = accs[d] * inv_l
        accs = tuple(jnp.zeros((_LANES,), jnp.float32) for _ in range(4))
      nxt = g + _RING

      @pl.when(nxt < ng)
      def _():
        fire(nxt, t)
    return carry

  lax.fori_loop(0, ng // _RING, outer, 0)
  pltpu.sync_copy(pooled_v, out_hbm.at[pl.ds(base_b, nb)])


def _sc_pool(table_lin, idx2):
  nb = _B // _NW
  ng = nb * _GPR
  mesh = plsc.VectorSubcoreMesh(core_axis_name="c", subcore_axis_name="s")
  return pl.kernel(
      _sc_pool_body,
      out_type=jax.ShapeDtypeStruct((_B, _D), jnp.float32),
      mesh=mesh,
      compiler_params=pltpu.CompilerParams(use_tc_tiling_on_sc=False,
                                           needs_layout_passes=False),
      scratch_types=[
          pltpu.VMEM((ng, _CHUNK), jnp.int32),
          pltpu.VMEM((_RING, _CHUNK, _D // 2), jnp.uint32),
          pltpu.VMEM((nb, _D), jnp.float32),
          pltpu.SemaphoreType.DMA((_RING,)),
      ],
  )(table_lin, idx2)


def _mlp_body(p_ref, w1_ref, b1_ref, w2_ref, b2_ref, w3_ref, b3_ref, o_ref):
  h = jnp.dot(p_ref[...], w1_ref[...], preferred_element_type=jnp.float32)
  h = jnp.maximum(h + b1_ref[...], 0.0)
  h = jnp.dot(h, w2_ref[...], preferred_element_type=jnp.float32)
  h = jnp.maximum(h + b2_ref[...], 0.0)
  o_ref[...] = (
      jnp.dot(h, w3_ref[...], preferred_element_type=jnp.float32)
      + b3_ref[...])


def _mlp(pooled, W1, b1, W2, b2, W3, b3):
  return pl.pallas_call(
      _mlp_body,
      out_shape=jax.ShapeDtypeStruct((pooled.shape[0], W3.shape[1]),
                                     jnp.float32),
  )(pooled, W1, b1.reshape(1, -1), W2, b2.reshape(1, -1),
    W3, b3.reshape(1, -1))


def kernel(x, table, W1, b1, W2, b2, W3, b3):
  table_lin = _tc_relayout(table.T)
  idx2 = x.reshape(_B * _GPR, _CHUNK).astype(jnp.int32)
  pooled = _sc_pool(table_lin, idx2)
  return _mlp(pooled, W1, b1, W2, b2, W3, b3)

# --- scband reference (transcript-rebuilt; emitter-appended) ---
"""Pipeline reference for scband-dnn-14302241095726 (READ-ONLY COPY).

The authoritative reference and input builder live on the scoring server;
editing this copy changes nothing except your own understanding.
"""

import jax, jax.numpy as jnp
import numpy as np

B, L, V, D = 4096, 200, 1000000, 64
CLASS_NUM = 9


def setup_inputs(seed: int = 0) -> dict:
    key = jax.random.key(seed)
    ks = jax.random.split(key, 8)
    x = jax.random.randint(ks[0], (B, L), 0, V)
    table = jax.random.normal(ks[1], (V, D), dtype=jnp.float32) * 0.02
    W1 = jax.random.normal(ks[2], (D, 50), dtype=jnp.float32) * (1.0 / np.sqrt(D))
    b1 = jnp.zeros((50,), dtype=jnp.float32)
    W2 = jax.random.normal(ks[3], (50, 16), dtype=jnp.float32) * (1.0 / np.sqrt(50))
    b2 = jnp.zeros((16,), dtype=jnp.float32)
    W3 = jax.random.normal(ks[4], (16, CLASS_NUM), dtype=jnp.float32) * (1.0 / np.sqrt(16))
    b3 = jnp.zeros((CLASS_NUM,), dtype=jnp.float32)
    return {"x": x, "table": table, "W1": W1, "b1": b1, "W2": W2, "b2": b2, "W3": W3, "b3": b3}


def reference(x, table, W1, b1, W2, b2, W3, b3):
    # Embedding lookup: [B, L] -> [B, L, D]
    emb = jnp.take(table, x, axis=0)
    # adaptive_avg_pool2d to (1, embed_dim) over the (L, D) plane == mean over L
    pooled = jnp.mean(emb, axis=1)
    h = jax.nn.relu(pooled @ W1 + b1)
    h = jax.nn.relu(h @ W2 + b2)
    out = h @ W3 + b3
    return out

if __name__ == "__main__":
    import jax
    _d = setup_inputs()
    print(jax.jit(kernel)(*tuple(_d.values())))

</pallas_src>

<mosaic_0001>
#map = affine_map<(d0, d1) -> (0, 0)>
module attributes {stable_mosaic.version = 14 : i64} {
  func.func @_sc_pool_body(%arg0: i32, %arg1: i32, %arg2: memref<1015808x32xi32, #tpu.memory_space<hbm>>, %arg3: memref<8192x100xi32, #tpu.memory_space<hbm>>, %arg4: memref<4096x64xf32, #tpu.memory_space<hbm>>, %arg5: memref<256x100xi32, #tpu.memory_space<vmem>>, %arg6: memref<4x100x32xi32, #tpu.memory_space<vmem>>, %arg7: memref<128x64xf32, #tpu.memory_space<vmem>>, %arg8: memref<4x!tpu.dma_semaphore, #tpu.memory_space<semaphore_mem>>) attributes {dimension_semantics = [#tpu.dimension_semantics<core_parallel>, #tpu.dimension_semantics<subcore_parallel>], iteration_bounds = array<i64: 2, 16>, scalar_prefetch = 0 : i64, scratch_operands = 4 : i64, tpu.core_type = #tpu.core_type<sc_vector_subcore>, window_params = [{transform_indices = #map}, {transform_indices = #map}, {transform_indices = #map}]} {
    %mul3A = arith.constant 2 : i32
    %mul3A_0 = arith.muli %arg1, %mul3A : i32
    %add3A = arith.addi %mul3A_0, %arg0 : i32
    %mul3A_1 = arith.constant 256 : i32
    %mul3A_2 = arith.muli %add3A, %mul3A_1 : i32
    %mul3A_3 = arith.constant 128 : i32
    %mul3A_4 = arith.muli %add3A, %mul3A_3 : i32
    "tpu.region"() ({
      %run_scoped3A = tpu.sem_alloc : memref<!tpu.dma_semaphore, #tpu.memory_space<semaphore_mem>>
      %dma_start3A_78 = arith.constant 0 : i32
      %dma_start3A_79 = tpu.memref_slice %arg3[%mul3A_2, %dma_start3A_78] : memref<8192x100xi32, #tpu.memory_space<hbm>> -> memref<256x100xi32, #tpu.memory_space<hbm>>
      %dma_start3A_80 = arith.constant 0 : i32
      %dma_start3A_81 = tpu.memref_slice %arg3[%mul3A_2, %dma_start3A_80] : memref<8192x100xi32, #tpu.memory_space<hbm>> -> memref<256x100xi32, #tpu.memory_space<hbm>>
      tpu.enqueue_dma source(%dma_start3A_81 : memref<256x100xi32, #tpu.memory_space<hbm>>) target(%arg5 : memref<256x100xi32, #tpu.memory_space<vmem>>) target_semaphore(%run_scoped3A : memref<!tpu.dma_semaphore, #tpu.memory_space<semaphore_mem>>)
      %dma_wait3A = arith.constant 0 : i32
      %dma_wait3A_82 = tpu.memref_slice %arg3[%mul3A_2, %dma_wait3A] : memref<8192x100xi32, #tpu.memory_space<hbm>> -> memref<256x100xi32, #tpu.memory_space<hbm>>
      %dma_wait3A_83 = arith.constant 0 : i32
      %dma_wait3A_84 = tpu.memref_slice %arg3[%mul3A_2, %dma_wait3A_83] : memref<8192x100xi32, #tpu.memory_space<hbm>> -> memref<256x100xi32, #tpu.memory_space<hbm>>
      tpu.wait_dma2 semaphore(%run_scoped3A : memref<!tpu.dma_semaphore, #tpu.memory_space<semaphore_mem>>) src(%dma_wait3A_84 : memref<256x100xi32, #tpu.memory_space<hbm>>) dst(%arg5 : memref<256x100xi32, #tpu.memory_space<vmem>>)
      tpu.yield
    }) : () -> ()
    %scan3A = arith.constant 0 : i32
    %scan3A_5 = arith.constant 0 : i32
    %scan3A_6 = arith.constant 64 : i32
    %scan3A_7 = arith.addi %scan3A_5, %scan3A_6 : i32
    %scan3A_8 = arith.constant 1 : i32
    %scan3A_9 = scf.for %scan3A_78 = %scan3A_5 to %scan3A_7 step %scan3A_8 iter_args(%scan3A_79 = %scan3A) -> (i32)  : i32 {
      %scan3A_80 = arith.constant 0 : i32
      %scan3A_81 = arith.constant 0 : i32
      %scan3A_82 = arith.constant 4 : i32
      %scan3A_83 = arith.addi %scan3A_81, %scan3A_82 : i32
      %scan3A_84 = arith.constant 1 : i32
      %scan3A_85 = scf.for %scan3A_87 = %scan3A_81 to %scan3A_83 step %scan3A_84 iter_args(%scan3A_88 = %scan3A_80) -> (i32)  : i32 {
        %mul3A_89 = arith.constant 4 : i32
        %mul3A_90 = arith.muli %scan3A_78, %mul3A_89 : i32
        %add3A_91 = arith.addi %mul3A_90, %scan3A_87 : i32
        %get3A = arith.index_cast %add3A_91 : i32 to index
        %get3A_92 = arith.constant 84 : index
        %get3A_93 = tpu.vector_load %arg5[%get3A, %get3A_92] {strides = array<i32>} : memref<256x100xi32, #tpu.memory_space<vmem>>, vector<16xi32>,
        %get3A_94 = arith.index_cast %add3A_91 : i32 to index
        %get3A_95 = arith.constant 0 : index
        %get3A_96 = tpu.vector_load %arg5[%get3A_94, %get3A_95] {strides = array<i32>} : memref<256x100xi32, #tpu.memory_space<vmem>>, vector<16xi32>,
        %and3A = arith.constant -16384 : i32
        %and3A_97 = vector.broadcast %and3A : i32 to vector<16xi32>
        %and3A_98 = arith.andi %get3A_96, %and3A_97 : vector<16xi32>
        %and3A_99 = arith.constant 4095 : i32
        %and3A_100 = vector.broadcast %and3A_99 : i32 to vector<16xi32>
        %and3A_101 = arith.andi %get3A_96, %and3A_100 : vector<16xi32>
        %shift_left3A = arith.constant 2 : i32
        %shift_left3A_102 = vector.broadcast %shift_left3A : i32 to vector<16xi32>
        %shift_left3A_103 = arith.shli %and3A_101, %shift_left3A_102 : vector<16xi32>
        %and3A_104 = arith.constant 16383 : i32
        %and3A_105 = vector.broadcast %and3A_104 : i32 to vector<16xi32>
        %and3A_106 = arith.andi %get3A_96, %and3A_105 : vector<16xi32>
        %shift_right_logical3A = arith.constant 12 : i32
        %shift_right_logical3A_107 = vector.broadcast %shift_right_logical3A : i32 to vector<16xi32>
        %shift_right_logical3A_108 = arith.shrui %and3A_106, %shift_right_logical3A_107 : vector<16xi32>
        %or3A = arith.ori %and3A_98, %shift_left3A_103 : vector<16xi32>
        %or3A_109 = arith.ori %or3A, %shift_right_logical3A_108 : vector<16xi32>
        %swap3A = arith.index_cast %add3A_91 : i32 to index
        %swap3A_110 = arith.constant 0 : index
        %swap3A_111 = tpu.vector_load %arg5[%swap3A, %swap3A_110] {strides = array<i32>} : memref<256x100xi32, #tpu.memory_space<vmem>>, vector<16xi32>,
        tpu.vector_store %arg5[%swap3A, %swap3A_110], %or3A_109 {strides = array<i32>} : memref<256x100xi32, #tpu.memory_space<vmem>>, vector<16xi32>,
        %get3A_112 = arith.index_cast %add3A_91 : i32 to index
        %get3A_113 = arith.constant 16 : index
        %get3A_114 = tpu.vector_load %arg5[%get3A_112, %get3A_113] {strides = array<i32>} : memref<256x100xi32, #tpu.memory_space<vmem>>, vector<16xi32>,
        %and3A_115 = arith.constant -16384 : i32
        %and3A_116 = vector.broadcast %and3A_115 : i32 to vector<16xi32>
        %and3A_117 = arith.andi %get3A_114, %and3A_116 : vector<16xi32>
        %and3A_118 = arith.constant 4095 : i32
        %and3A_119 = vector.broadcast %and3A_118 : i32 to vector<16xi32>
        %and3A_120 = arith.andi %get3A_114, %and3A_119 : vector<16xi32>
        %shift_left3A_121 = arith.constant 2 : i32
        %shift_left3A_122 = vector.broadcast %shift_left3A_121 : i32 to vector<16xi32>
        %shift_left3A_123 = arith.shli %and3A_120, %shift_left3A_122 : vector<16xi32>
        %and3A_124 = arith.constant 16383 : i32
        %and3A_125 = vector.broadcast %and3A_124 : i32 to vector<16xi32>
        %and3A_126 = arith.andi %get3A_114, %and3A_125 : vector<16xi32>
        %shift_right_logical3A_127 = arith.constant 12 : i32
        %shift_right_logical3A_128 = vector.broadcast %shift_right_logical3A_127 : i32 to vector<16xi32>
        %shift_right_logical3A_129 = arith.shrui %and3A_126, %shift_right_logical3A_128 : vector<16xi32>
        %or3A_130 = arith.ori %and3A_117, %shift_left3A_123 : vector<16xi32>
        %or3A_131 = arith.ori %or3A_130, %shift_right_logical3A_129 : vector<16xi32>
        %swap3A_132 = arith.index_cast %add3A_91 : i32 to index
        %swap3A_133 = arith.constant 16 : index
        %swap3A_134 = tpu.vector_load %arg5[%swap3A_132, %swap3A_133] {strides = array<i32>} : memref<256x100xi32, #tpu.memory_space<vmem>>, vector<16xi32>,
        tpu.vector_store %arg5[%swap3A_132, %swap3A_133], %or3A_131 {strides = array<i32>} : memref<256x100xi32, #tpu.memory_space<vmem>>, vector<16xi32>,
        %get3A_135 = arith.index_cast %add3A_91 : i32 to index
        %get3A_136 = arith.constant 32 : index
        %get3A_137 = tpu.vector_load %arg5[%get3A_135, %get3A_136] {strides = array<i32>} : memref<256x100xi32, #tpu.memory_space<vmem>>, vector<16xi32>,
        %and3A_138 = arith.constant -16384 : i32
        %and3A_139 = vector.broadcast %and3A_138 : i32 to vector<16xi32>
        %and3A_140 = arith.andi %get3A_137, %and3A_139 : vector<16xi32>
        %and3A_141 = arith.constant 4095 : i32
        %and3A_142 = vector.broadcast %and3A_141 : i32 to vector<16xi32>
        %and3A_143 = arith.andi %get3A_137, %and3A_142 : vector<16xi32>
        %shift_left3A_144 = arith.constant 2 : i32
        %shift_left3A_145 = vector.broadcast %shift_left3A_144 : i32 to vector<16xi32>
        %shift_left3A_146 = arith.shli %and3A_143, %shift_left3A_145 : vector<16xi32>
        %and3A_147 = arith.constant 16383 : i32
        %and3A_148 = vector.broadcast %and3A_147 : i32 to vector<16xi32>
        %and3A_149 = arith.andi %get3A_137, %and3A_148 : vector<16xi32>
        %shift_right_logical3A_150 = arith.constant 12 : i32
        %shift_right_logical3A_151 = vector.broadcast %shift_right_logical3A_150 : i32 to vector<16xi32>
        %shift_right_logical3A_152 = arith.shrui %and3A_149, %shift_right_logical3A_151 : vector<16xi32>
        %or3A_153 = arith.ori %and3A_140, %shift_left3A_146 : vector<16xi32>
        %or3A_154 = arith.ori %or3A_153, %shift_right_logical3A_152 : vector<16xi32>
        %swap3A_155 = arith.index_cast %add3A_91 : i32 to index
        %swap3A_156 = arith.constant 32 : index
        %swap3A_157 = tpu.vector_load %arg5[%swap3A_155, %swap3A_156] {strides = array<i32>} : memref<256x100xi32, #tpu.memory_space<vmem>>, vector<16xi32>,
        tpu.vector_store %arg5[%swap3A_155, %swap3A_156], %or3A_154 {strides = array<i32>} : memref<256x100xi32, #tpu.memory_space<vmem>>, vector<16xi32>,
        %get3A_158 = arith.index_cast %add3A_91 : i32 to index
        %get3A_159 = arith.constant 48 : index
        %get3A_160 = tpu.vector_load %arg5[%get3A_158, %get3A_159] {strides = array<i32>} : memref<256x100xi32, #tpu.memory_space<vmem>>, vector<16xi32>,
        %and3A_161 = arith.constant -16384 : i32
        %and3A_162 = vector.broadcast %and3A_161 : i32 to vector<16xi32>
        %and3A_163 = arith.andi %get3A_160, %and3A_162 : vector<16xi32>
        %and3A_164 = arith.constant 4095 : i32
        %and3A_165 = vector.broadcast %and3A_164 : i32 to vector<16xi32>
        %and3A_166 = arith.andi %get3A_160, %and3A_165 : vector<16xi32>
        %shift_left3A_167 = arith.constant 2 : i32
        %shift_left3A_168 = vector.broadcast %shift_left3A_167 : i32 to vector<16xi32>
        %shift_left3A_169 = arith.shli %and3A_166, %shift_left3A_168 : vector<16xi32>
        %and3A_170 = arith.constant 16383 : i32
        %and3A_171 = vector.broadcast %and3A_170 : i32 to vector<16xi32>
        %and3A_172 = arith.andi %get3A_160, %and3A_171 : vector<16xi32>
        %shift_right_logical3A_173 = arith.constant 12 : i32
        %shift_right_logical3A_174 = vector.broadcast %shift_right_logical3A_173 : i32 to vector<16xi32>
        %shift_right_logical3A_175 = arith.shrui %and3A_172, %shift_right_logical3A_174 : vector<16xi32>
        %or3A_176 = arith.ori %and3A_163, %shift_left3A_169 : vector<16xi32>
        %or3A_177 = arith.ori %or3A_176, %shift_right_logical3A_175 : vector<16xi32>
        %swap3A_178 = arith.index_cast %add3A_91 : i32 to index
        %swap3A_179 = arith.constant 48 : index
        %swap3A_180 = tpu.vector_load %arg5[%swap3A_178, %swap3A_179] {strides = array<i32>} : memref<256x100xi32, #tpu.memory_space<vmem>>, vector<16xi32>,
        tpu.vector_store %arg5[%swap3A_178, %swap3A_179], %or3A_177 {strides = array<i32>} : memref<256x100xi32, #tpu.memory_space<vmem>>, vector<16xi32>,
        %get3A_181 = arith.index_cast %add3A_91 : i32 to index
        %get3A_182 = arith.constant 64 : index
        %get3A_183 = tpu.vector_load %arg5[%get3A_181, %get3A_182] {strides = array<i32>} : memref<256x100xi32, #tpu.memory_space<vmem>>, vector<16xi32>,
        %and3A_184 = arith.constant -16384 : i32
        %and3A_185 = vector.broadcast %and3A_184 : i32 to vector<16xi32>
        %and3A_186 = arith.andi %get3A_183, %and3A_185 : vector<16xi32>
        %and3A_187 = arith.constant 4095 : i32
        %and3A_188 = vector.broadcast %and3A_187 : i32 to vector<16xi32>
        %and3A_189 = arith.andi %get3A_183, %and3A_188 : vector<16xi32>
        %shift_left3A_190 = arith.constant 2 : i32
        %shift_left3A_191 = vector.broadcast %shift_left3A_190 : i32 to vector<16xi32>
        %shift_left3A_192 = arith.shli %and3A_189, %shift_left3A_191 : vector<16xi32>
        %and3A_193 = arith.constant 16383 : i32
        %and3A_194 = vector.broadcast %and3A_193 : i32 to vector<16xi32>
        %and3A_195 = arith.andi %get3A_183, %and3A_194 : vector<16xi32>
        %shift_right_logical3A_196 = arith.constant 12 : i32
        %shift_right_logical3A_197 = vector.broadcast %shift_right_logical3A_196 : i32 to vector<16xi32>
        %shift_right_logical3A_198 = arith.shrui %and3A_195, %shift_right_logical3A_197 : vector<16xi32>
        %or3A_199 = arith.ori %and3A_186, %shift_left3A_192 : vector<16xi32>
        %or3A_200 = arith.ori %or3A_199, %shift_right_logical3A_198 : vector<16xi32>
        %swap3A_201 = arith.index_cast %add3A_91 : i32 to index
        %swap3A_202 = arith.constant 64 : index
        %swap3A_203 = tpu.vector_load %arg5[%swap3A_201, %swap3A_202] {strides = array<i32>} : memref<256x100xi32, #tpu.memory_space<vmem>>, vector<16xi32>,
        tpu.vector_store %arg5[%swap3A_201, %swap3A_202], %or3A_200 {strides = array<i32>} : memref<256x100xi32, #tpu.memory_space<vmem>>, vector<16xi32>,
        %get3A_204 = arith.index_cast %add3A_91 : i32 to index
        %get3A_205 = arith.constant 80 : index
        %get3A_206 = tpu.vector_load %arg5[%get3A_204, %get3A_205] {strides = array<i32>} : memref<256x100xi32, #tpu.memory_space<vmem>>, vector<16xi32>,
        %and3A_207 = arith.constant -16384 : i32
        %and3A_208 = vector.broadcast %and3A_207 : i32 to vector<16xi32>
        %and3A_209 = arith.andi %get3A_206, %and3A_208 : vector<16xi32>
        %and3A_210 = arith.constant 4095 : i32
        %and3A_211 = vector.broadcast %and3A_210 : i32 to vector<16xi32>
        %and3A_212 = arith.andi %get3A_206, %and3A_211 : vector<16xi32>
        %shift_left3A_213 = arith.constant 2 : i32
        %shift_left3A_214 = vector.broadcast %shift_left3A_213 : i32 to vector<16xi32>
        %shift_left3A_215 = arith.shli %and3A_212, %shift_left3A_214 : vector<16xi32>
        %and3A_216 = arith.constant 16383 : i32
        %and3A_217 = vector.broadcast %and3A_216 : i32 to vector<16xi32>
        %and3A_218 = arith.andi %get3A_206, %and3A_217 : vector<16xi32>
        %shift_right_logical3A_219 = arith.constant 12 : i32
        %shift_right_logical3A_220 = vector.broadcast %shift_right_logical3A_219 : i32 to vector<16xi32>
        %shift_right_logical3A_221 = arith.shrui %and3A_218, %shift_right_logical3A_220 : vector<16xi32>
        %or3A_222 = arith.ori %and3A_209, %shift_left3A_215 : vector<16xi32>
        %or3A_223 = arith.ori %or3A_222, %shift_right_logical3A_221 : vector<16xi32>
        %swap3A_224 = arith.index_cast %add3A_91 : i32 to index
        %swap3A_225 = arith.constant 80 : index
        %swap3A_226 = tpu.vector_load %arg5[%swap3A_224, %swap3A_225] {strides = array<i32>} : memref<256x100xi32, #tpu.memory_space<vmem>>, vector<16xi32>,
        tpu.vector_store %arg5[%swap3A_224, %swap3A_225], %or3A_223 {strides = array<i32>} : memref<256x100xi32, #tpu.memory_space<vmem>>, vector<16xi32>,
        %and3A_227 = arith.constant -16384 : i32
        %and3A_228 = vector.broadcast %and3A_227 : i32 to vector<16xi32>
        %and3A_229 = arith.andi %get3A_93, %and3A_228 : vector<16xi32>
        %and3A_230 = arith.constant 4095 : i32
        %and3A_231 = vector.broadcast %and3A_230 : i32 to vector<16xi32>
        %and3A_232 = arith.andi %get3A_93, %and3A_231 : vector<16xi32>
        %shift_left3A_233 = arith.constant 2 : i32
        %shift_left3A_234 = vector.broadcast %shift_left3A_233 : i32 to vector<16xi32>
        %shift_left3A_235 = arith.shli %and3A_232, %shift_left3A_234 : vector<16xi32>
        %and3A_236 = arith.constant 16383 : i32
        %and3A_237 = vector.broadcast %and3A_236 : i32 to vector<16xi32>
        %and3A_238 = arith.andi %get3A_93, %and3A_237 : vector<16xi32>
        %shift_right_logical3A_239 = arith.constant 12 : i32
        %shift_right_logical3A_240 = vector.broadcast %shift_right_logical3A_239 : i32 to vector<16xi32>
        %shift_right_logical3A_241 = arith.shrui %and3A_238, %shift_right_logical3A_240 : vector<16xi32>
        %or3A_242 = arith.ori %and3A_229, %shift_left3A_235 : vector<16xi32>
        %or3A_243 = arith.ori %or3A_242, %shift_right_logical3A_241 : vector<16xi32>
        %swap3A_244 = arith.index_cast %add3A_91 : i32 to index
        %swap3A_245 = arith.constant 84 : index
        %swap3A_246 = tpu.vector_load %arg5[%swap3A_244, %swap3A_245] {strides = array<i32>} : memref<256x100xi32, #tpu.memory_space<vmem>>, vector<16xi32>,
        tpu.vector_store %arg5[%swap3A_244, %swap3A_245], %or3A_243 {strides = array<i32>} : memref<256x100xi32, #tpu.memory_space<vmem>>, vector<16xi32>,
        %scan3A_247 = arith.constant 0 : i32
        scf.yield %scan3A_247 : i32
      }
      %scan3A_86 = arith.constant 4 : i32
      scf.yield %scan3A_85 : i32
    }
    %scan3A_10 = arith.constant 64 : i32
    %dma_start3A = arith.constant 0 : i32
    %dma_start3A_11 = arith.constant 0 : i32
    %dma_start3A_12 = arith.constant 0 : i32
    %dma_start3A_13 = arith.constant 0 : i32
    %dma_start3A_14 = arith.constant 0 : i32
    %dma_start3A_15 = tpu.memref_slice %arg6[%dma_start3A_11, %dma_start3A_13, %dma_start3A_14] : memref<4x100x32xi32, #tpu.memory_space<vmem>> -> memref<1x100x32xi32, #tpu.memory_space<vmem>>
    %dma_start3A_16 = tpu.memref_squeeze %dma_start3A_15 : memref<1x100x32xi32, #tpu.memory_space<vmem>> -> memref<100x32xi32, #tpu.memory_space<vmem>>
    %dma_start3A_17 = arith.constant 0 : i32
    %dma_start3A_18 = tpu.memref_slice %arg5[%dma_start3A, %dma_start3A_17] : memref<256x100xi32, #tpu.memory_space<vmem>> -> memref<1x100xi32, #tpu.memory_space<vmem>>
    %dma_start3A_19 = tpu.memref_squeeze %dma_start3A_18 : memref<1x100xi32, #tpu.memory_space<vmem>> -> memref<100xi32, #tpu.memory_space<vmem>>
    %dma_start3A_20 = arith.constant 0 : i32
    %dma_start3A_21 = arith.constant 0 : i32
    %dma_start3A_22 = tpu.memref_slice %arg2[%dma_start3A_20, %dma_start3A_21] : memref<1015808x32xi32, #tpu.memory_space<hbm>> -> memref<1015808x32xi32, #tpu.memory_space<hbm>>
    %dma_start3A_23 = tpu.memref_slice %arg8[%dma_start3A_12] : memref<4x!tpu.dma_semaphore, #tpu.memory_space<semaphore_mem>> -> memref<1x!tpu.dma_semaphore, #tpu.memory_space<semaphore_mem>>
    %dma_start3A_24 = tpu.memref_squeeze %dma_start3A_23 : memref<1x!tpu.dma_semaphore, #tpu.memory_space<semaphore_mem>> -> memref<!tpu.dma_semaphore, #tpu.memory_space<semaphore_mem>>
    tpu.enqueue_indirect_dma source(%dma_start3A_22 : memref<1015808x32xi32, #tpu.memory_space<hbm>>) target(%dma_start3A_16 : memref<100x32xi32, #tpu.memory_space<vmem>>) offsets(%dma_start3A_19 : memref<100xi32, #tpu.memory_space<vmem>>) semaphore(%dma_start3A_24 : memref<!tpu.dma_semaphore, #tpu.memory_space<semaphore_mem>>)
    %dma_start3A_25 = arith.constant 1 : i32
    %dma_start3A_26 = arith.constant 1 : i32
    %dma_start3A_27 = arith.constant 1 : i32
    %dma_start3A_28 = arith.constant 0 : i32
    %dma_start3A_29 = arith.constant 0 : i32
    %dma_start3A_30 = tpu.memref_slice %arg6[%dma_start3A_26, %dma_start3A_28, %dma_start3A_29] : memref<4x100x32xi32, #tpu.memory_space<vmem>> -> memref<1x100x32xi32, #tpu.memory_space<vmem>>
    %dma_start3A_31 = tpu.memref_squeeze %dma_start3A_30 : memref<1x100x32xi32, #tpu.memory_space<vmem>> -> memref<100x32xi32, #tpu.memory_space<vmem>>
    %dma_start3A_32 = arith.constant 0 : i32
    %dma_start3A_33 = tpu.memref_slice %arg5[%dma_start3A_25, %dma_start3A_32] : memref<256x100xi32, #tpu.memory_space<vmem>> -> memref<1x100xi32, #tpu.memory_space<vmem>>
    %dma_start3A_34 = tpu.memref_squeeze %dma_start3A_33 : memref<1x100xi32, #tpu.memory_space<vmem>> -> memref<100xi32, #tpu.memory_space<vmem>>
    %dma_start3A_35 = arith.constant 0 : i32
    %dma_start3A_36 = arith.constant 0 : i32
    %dma_start3A_37 = tpu.memref_slice %arg2[%dma_start3A_35, %dma_start3A_36] : memref<1015808x32xi32, #tpu.memory_space<hbm>> -> memref<1015808x32xi32, #tpu.memory_space<hbm>>
    %dma_start3A_38 = tpu.memref_slice %arg8[%dma_start3A_27] : memref<4x!tpu.dma_semaphore, #tpu.memory_space<semaphore_mem>> -> memref<1x!tpu.dma_semaphore, #tpu.memory_space<semaphore_mem>>
    %dma_start3A_39 = tpu.memref_squeeze %dma_start3A_38 : memref<1x!tpu.dma_semaphore, #tpu.memory_space<semaphore_mem>> -> memref<!tpu.dma_semaphore, #tpu.memory_space<semaphore_mem>>
    tpu.enqueue_indirect_dma source(%dma_start3A_37 : memref<1015808x32xi32, #tpu.memory_space<hbm>>) target(%dma_start3A_31 : memref<100x32xi32, #tpu.memory_space<vmem>>) offsets(%dma_start3A_34 : memref<100xi32, #tpu.memory_space<vmem>>) semaphore(%dma_start3A_39 : memref<!tpu.dma_semaphore, #tpu.memory_space<semaphore_mem>>)
    %dma_start3A_40 = arith.constant 2 : i32
    %dma_start3A_41 = arith.constant 2 : i32
    %dma_start3A_42 = arith.constant 2 : i32
    %dma_start3A_43 = arith.constant 0 : i32
    %dma_start3A_44 = arith.constant 0 : i32
    %dma_start3A_45 = tpu.memref_slice %arg6[%dma_start3A_41, %dma_start3A_43, %dma_start3A_44] : memref<4x100x32xi32, #tpu.memory_space<vmem>> -> memref<1x100x32xi32, #tpu.memory_space<vmem>>
    %dma_start3A_46 = tpu.memref_squeeze %dma_start3A_45 : memref<1x100x32xi32, #tpu.memory_space<vmem>> -> memref<100x32xi32, #tpu.memory_space<vmem>>
    %dma_start3A_47 = arith.constant 0 : i32
    %dma_start3A_48 = tpu.memref_slice %arg5[%dma_start3A_40, %dma_start3A_47] : memref<256x100xi32, #tpu.memory_space<vmem>> -> memref<1x100xi32, #tpu.memory_space<vmem>>
    %dma_start3A_49 = tpu.memref_squeeze %dma_start3A_48 : memref<1x100xi32, #tpu.memory_space<vmem>> -> memref<100xi32, #tpu.memory_space<vmem>>
    %dma_start3A_50 = arith.constant 0 : i32
    %dma_start3A_51 = arith.constant 0 : i32
    %dma_start3A_52 = tpu.memref_slice %arg2[%dma_start3A_50, %dma_start3A_51] : memref<1015808x32xi32, #tpu.memory_space<hbm>> -> memref<1015808x32xi32, #tpu.memory_space<hbm>>
    %dma_start3A_53 = tpu.memref_slice %arg8[%dma_start3A_42] : memref<4x!tpu.dma_semaphore, #tpu.memory_space<semaphore_mem>> -> memref<1x!tpu.dma_semaphore, #tpu.memory_space<semaphore_mem>>
    %dma_start3A_54 = tpu.memref_squeeze %dma_start3A_53 : memref<1x!tpu.dma_semaphore, #tpu.memory_space<semaphore_mem>> -> memref<!tpu.dma_semaphore, #tpu.memory_space<semaphore_mem>>
    tpu.enqueue_indirect_dma source(%dma_start3A_52 : memref<1015808x32xi32, #tpu.memory_space<hbm>>) target(%dma_start3A_46 : memref<100x32xi32, #tpu.memory_space<vmem>>) offsets(%dma_start3A_49 : memref<100xi32, #tpu.memory_space<vmem>>) semaphore(%dma_start3A_54 : memref<!tpu.dma_semaphore, #tpu.memory_space<semaphore_mem>>)
    %dma_start3A_55 = arith.constant 3 : i32
    %dma_start3A_56 = arith.constant 3 : i32
    %dma_start3A_57 = arith.constant 3 : i32
    %dma_start3A_58 = arith.constant 0 : i32
    %dma_start3A_59 = arith.constant 0 : i32
    %dma_start3A_60 = tpu.memref_slice %arg6[%dma_start3A_56, %dma_start3A_58, %dma_start3A_59] : memref<4x100x32xi32, #tpu.memory_space<vmem>> -> memref<1x100x32xi32, #tpu.memory_space<vmem>>
    %dma_start3A_61 = tpu.memref_squeeze %dma_start3A_60 : memref<1x100x32xi32, #tpu.memory_space<vmem>> -> memref<100x32xi32, #tpu.memory_space<vmem>>
    %dma_start3A_62 = arith.constant 0 : i32
    %dma_start3A_63 = tpu.memref_slice %arg5[%dma_start3A_55, %dma_start3A_62] : memref<256x100xi32, #tpu.memory_space<vmem>> -> memref<1x100xi32, #tpu.memory_space<vmem>>
    %dma_start3A_64 = tpu.memref_squeeze %dma_start3A_63 : memref<1x100xi32, #tpu.memory_space<vmem>> -> memref<100xi32, #tpu.memory_space<vmem>>
    %dma_start3A_65 = arith.constant 0 : i32
    %dma_start3A_66 = arith.constant 0 : i32
    %dma_start3A_67 = tpu.memref_slice %arg2[%dma_start3A_65, %dma_start3A_66] : memref<1015808x32xi32, #tpu.memory_space<hbm>> -> memref<1015808x32xi32, #tpu.memory_space<hbm>>
    %dma_start3A_68 = tpu.memref_slice %arg8[%dma_start3A_57] : memref<4x!tpu.dma_semaphore, #tpu.memory_space<semaphore_mem>> -> memref<1x!tpu.dma_semaphore, #tpu.memory_space<semaphore_mem>>
    %dma_start3A_69 = tpu.memref_squeeze %dma_start3A_68 : memref<1x!tpu.dma_semaphore, #tpu.memory_space<semaphore_mem>> -> memref<!tpu.dma_semaphore, #tpu.memory_space<semaphore_mem>>
    tpu.enqueue_indirect_dma source(%dma_start3A_67 : memref<1015808x32xi32, #tpu.memory_space<hbm>>) target(%dma_start3A_61 : memref<100x32xi32, #tpu.memory_space<vmem>>) offsets(%dma_start3A_64 : memref<100xi32, #tpu.memory_space<vmem>>) semaphore(%dma_start3A_69 : memref<!tpu.dma_semaphore, #tpu.memory_space<semaphore_mem>>)
    %scan3A_70 = arith.constant 0 : i32
    %scan3A_71 = arith.constant -65536 : i32
    %scan3A_72 = arith.constant 5.000000e-03 : f32
    %scan3A_73 = arith.constant 0 : i32
    %scan3A_74 = arith.constant 64 : i32
    %scan3A_75 = arith.addi %scan3A_73, %scan3A_74 : i32
    %scan3A_76 = arith.constant 1 : i32
    scf.for %scan3A_78 = %scan3A_73 to %scan3A_75 step %scan3A_76  : i32 {
      %mul3A_79 = arith.constant 4 : i32
      %mul3A_80 = arith.muli %scan3A_78, %mul3A_79 : i32
      %broadcast_in_dim3A = arith.constant 0.000000e+00 : f32
      %broadcast_in_dim3A_81 = vector.broadcast %broadcast_in_dim3A : f32 to vector<16xf32>
      %broadcast_in_dim3A_82 = arith.constant 0.000000e+00 : f32
      %broadcast_in_dim3A_83 = vector.broadcast %broadcast_in_dim3A_82 : f32 to vector<16xf32>
      %broadcast_in_dim3A_84 = arith.constant 0.000000e+00 : f32
      %broadcast_in_dim3A_85 = vector.broadcast %broadcast_in_dim3A_84 : f32 to vector<16xf32>
      %broadcast_in_dim3A_86 = arith.constant 0.000000e+00 : f32
      %broadcast_in_dim3A_87 = vector.broadcast %broadcast_in_dim3A_86 : f32 to vector<16xf32>
      %add3A_88 = arith.constant 0 : i32
      %add3A_89 = arith.addi %mul3A_80, %add3A_88 : i32
      %dma_wait3A = arith.constant 0 : i32
      %dma_wait3A_90 = arith.constant 0 : i32
      %dma_wait3A_91 = arith.constant 0 : i32
      %dma_wait3A_92 = arith.constant 0 : i32
      %dma_wait3A_93 = tpu.memref_slice %arg6[%dma_wait3A, %dma_wait3A_91, %dma_wait3A_92] : memref<4x100x32xi32, #tpu.memory_space<vmem>> -> memref<1x100x32xi32, #tpu.memory_space<vmem>>
      %dma_wait3A_94 = tpu.memref_squeeze %dma_wait3A_93 : memref<1x100x32xi32, #tpu.memory_space<vmem>> -> memref<100x32xi32, #tpu.memory_space<vmem>>
      %dma_wait3A_95 = arith.constant 0 : i32
      %dma_wait3A_96 = tpu.memref_slice %arg5[%mul3A_80, %dma_wait3A_95] : memref<256x100xi32, #tpu.memory_space<vmem>> -> memref<1x100xi32, #tpu.memory_space<vmem>>
      %dma_wait3A_97 = tpu.memref_squeeze %dma_wait3A_96 : memref<1x100xi32, #tpu.memory_space<vmem>> -> memref<100xi32, #tpu.memory_space<vmem>>
      %dma_wait3A_98 = arith.constant 0 : i32
      %dma_wait3A_99 = arith.constant 0 : i32
      %dma_wait3A_100 = tpu.memref_slice %arg2[%dma_wait3A_98, %dma_wait3A_99] : memref<1015808x32xi32, #tpu.memory_space<hbm>> -> memref<1015808x32xi32, #tpu.memory_space<hbm>>
      %dma_wait3A_101 = tpu.memref_slice %arg8[%dma_wait3A_90] : memref<4x!tpu.dma_semaphore, #tpu.memory_space<semaphore_mem>> -> memref<1x!tpu.dma_semaphore, #tpu.memory_space<semaphore_mem>>
      %dma_wait3A_102 = tpu.memref_squeeze %dma_wait3A_101 : memref<1x!tpu.dma_semaphore, #tpu.memory_space<semaphore_mem>> -> memref<!tpu.dma_semaphore, #tpu.memory_space<semaphore_mem>>
      tpu.wait_indirect_dma semaphore(%dma_wait3A_102 : memref<!tpu.dma_semaphore, #tpu.memory_space<semaphore_mem>>) src(%dma_wait3A_100 : memref<1015808x32xi32, #tpu.memory_space<hbm>>) dst(%dma_wait3A_94 : memref<100x32xi32, #tpu.memory_space<vmem>>)
      %scan3A_103 = arith.constant 0 : i32
      %scan3A_104 = arith.constant 0 : i32
      %scan3A_105 = arith.constant 25 : i32
      %scan3A_106 = arith.addi %scan3A_104, %scan3A_105 : i32
      %scan3A_107 = arith.constant 1 : i32
      %scan3A_108:4 = scf.for %scan3A_267 = %scan3A_104 to %scan3A_106 step %scan3A_107 iter_args(%scan3A_268 = %broadcast_in_dim3A_81, %scan3A_269 = %broadcast_in_dim3A_83, %scan3A_270 = %broadcast_in_dim3A_85, %scan3A_271 = %broadcast_in_dim3A_87) -> (vector<16xf32>, vector<16xf32>, vector<16xf32>, vector<16xf32>)  : i32 {
        %mul3A_272 = arith.constant 4 : i32
        %mul3A_273 = arith.muli %scan3A_267, %mul3A_272 : i32
        %add3A_274 = arith.constant 0 : i32
        %add3A_275 = arith.addi %mul3A_273, %add3A_274 : i32
        %get3A = arith.constant 0 : i32
        %get3A_276 = arith.constant 0 : i32
        %get3A_277 = tpu.memref_slice %arg6[%scan3A_103, %get3A, %get3A_276] : memref<4x100x32xi32, #tpu.memory_space<vmem>> -> memref<1x100x32xi32, #tpu.memory_space<vmem>>
        %get3A_278 = tpu.memref_squeeze %get3A_277 : memref<1x100x32xi32, #tpu.memory_space<vmem>> -> memref<100x32xi32, #tpu.memory_space<vmem>>
        %get3A_279 = arith.index_cast %add3A_275 : i32 to index
        %get3A_280 = arith.constant 0 : index
        %get3A_281 = tpu.vector_load %get3A_278[%get3A_279, %get3A_280] {strides = array<i32>} : memref<100x32xi32, #tpu.memory_space<vmem>>, vector<16xi32>,
        %get3A_282 = arith.constant 0 : i32
        %get3A_283 = arith.constant 0 : i32
        %get3A_284 = tpu.memref_slice %arg6[%scan3A_103, %get3A_282, %get3A_283] : memref<4x100x32xi32, #tpu.memory_space<vmem>> -> memref<1x100x32xi32, #tpu.memory_space<vmem>>
        %get3A_285 = tpu.memref_squeeze %get3A_284 : memref<1x100x32xi32, #tpu.memory_space<vmem>> -> memref<100x32xi32, #tpu.memory_space<vmem>>
        %get3A_286 = arith.index_cast %add3A_275 : i32 to index
        %get3A_287 = arith.constant 16 : index
        %get3A_288 = tpu.vector_load %get3A_285[%get3A_286, %get3A_287] {strides = array<i32>} : memref<100x32xi32, #tpu.memory_space<vmem>>, vector<16xi32>,
        %shift_left3A = arith.constant 16 : i32
        %shift_left3A_289 = vector.broadcast %shift_left3A : i32 to vector<16xi32>
        %shift_left3A_290 = arith.shli %get3A_281, %shift_left3A_289 : vector<16xi32>
        %bitcast3A = vector.bitcast %shift_left3A_290 : vector<16xi32> to vector<16xf32>
        %add3A_291 = arith.addf %scan3A_268, %bitcast3A : vector<16xf32>
        %shift_left3A_292 = arith.constant 16 : i32
        %shift_left3A_293 = vector.broadcast %shift_left3A_292 : i32 to vector<16xi32>
        %shift_left3A_294 = arith.shli %get3A_288, %shift_left3A_293 : vector<16xi32>
        %bitcast3A_295 = vector.bitcast %shift_left3A_294 : vector<16xi32> to vector<16xf32>
        %add3A_296 = arith.addf %scan3A_269, %bitcast3A_295 : vector<16xf32>
        %and3A = vector.broadcast %scan3A_71 : i32 to vector<16xi32>
        %and3A_297 = arith.andi %get3A_281, %and3A : vector<16xi32>
        %bitcast3A_298 = vector.bitcast %and3A_297 : vector<16xi32> to vector<16xf32>
        %add3A_299 = arith.addf %scan3A_270, %bitcast3A_298 : vector<16xf32>
        %and3A_300 = vector.broadcast %scan3A_71 : i32 to vector<16xi32>
        %and3A_301 = arith.andi %get3A_288, %and3A_300 : vector<16xi32>
        %bitcast3A_302 = vector.bitcast %and3A_301 : vector<16xi32> to vector<16xf32>
        %add3A_303 = arith.addf %scan3A_271, %bitcast3A_302 : vector<16xf32>
        %mul3A_304 = arith.constant 4 : i32
        %mul3A_305 = arith.muli %scan3A_267, %mul3A_304 : i32
        %add3A_306 = arith.constant 1 : i32
        %add3A_307 = arith.addi %mul3A_305, %add3A_306 : i32
        %get3A_308 = arith.constant 0 : i32
        %get3A_309 = arith.constant 0 : i32
        %get3A_310 = tpu.memref_slice %arg6[%scan3A_103, %get3A_308, %get3A_309] : memref<4x100x32xi32, #tpu.memory_space<vmem>> -> memref<1x100x32xi32, #tpu.memory_space<vmem>>
        %get3A_311 = tpu.memref_squeeze %get3A_310 : memref<1x100x32xi32, #tpu.memory_space<vmem>> -> memref<100x32xi32, #tpu.memory_space<vmem>>
        %get3A_312 = arith.index_cast %add3A_307 : i32 to index
        %get3A_313 = arith.constant 0 : index
        %get3A_314 = tpu.vector_load %get3A_311[%get3A_312, %get3A_313] {strides = array<i32>} : memref<100x32xi32, #tpu.memory_space<vmem>>, vector<16xi32>,
        %get3A_315 = arith.constant 0 : i32
        %get3A_316 = arith.constant 0 : i32
        %get3A_317 = tpu.memref_slice %arg6[%scan3A_103, %get3A_315, %get3A_316] : memref<4x100x32xi32, #tpu.memory_space<vmem>> -> memref<1x100x32xi32, #tpu.memory_space<vmem>>
        %get3A_318 = tpu.memref_squeeze %get3A_317 : memref<1x100x32xi32, #tpu.memory_space<vmem>> -> memref<100x32xi32, #tpu.memory_space<vmem>>
        %get3A_319 = arith.index_cast %add3A_307 : i32 to index
        %get3A_320 = arith.constant 16 : index
        %get3A_321 = tpu.vector_load %get3A_318[%get3A_319, %get3A_320] {strides = array<i32>} : memref<100x32xi32, #tpu.memory_space<vmem>>, vector<16xi32>,
        %shift_left3A_322 = arith.constant 16 : i32
        %shift_left3A_323 = vector.broadcast %shift_left3A_322 : i32 to vector<16xi32>
        %shift_left3A_324 = arith.shli %get3A_314, %shift_left3A_323 : vector<16xi32>
        %bitcast3A_325 = vector.bitcast %shift_left3A_324 : vector<16xi32> to vector<16xf32>
        %add3A_326 = arith.addf %add3A_291, %bitcast3A_325 : vector<16xf32>
        %shift_left3A_327 = arith.constant 16 : i32
        %shift_left3A_328 = vector.broadcast %shift_left3A_327 : i32 to vector<16xi32>
        %shift_left3A_329 = arith.shli %get3A_321, %shift_left3A_328 : vector<16xi32>
        %bitcast3A_330 = vector.bitcast %shift_left3A_329 : vector<16xi32> to vector<16xf32>
        %add3A_331 = arith.addf %add3A_296, %bitcast3A_330 : vector<16xf32>
        %and3A_332 = vector.broadcast %scan3A_71 : i32 to vector<16xi32>
        %and3A_333 = arith.andi %get3A_314, %and3A_332 : vector<16xi32>
        %bitcast3A_334 = vector.bitcast %and3A_333 : vector<16xi32> to vector<16xf32>
        %add3A_335 = arith.addf %add3A_299, %bitcast3A_334 : vector<16xf32>
        %and3A_336 = vector.broadcast %scan3A_71 : i32 to vector<16xi32>
        %and3A_337 = arith.andi %get3A_321, %and3A_336 : vector<16xi32>
        %bitcast3A_338 = vector.bitcast %and3A_337 : vector<16xi32> to vector<16xf32>
        %add3A_339 = arith.addf %add3A_303, %bitcast3A_338 : vector<16xf32>
        %mul3A_340 = arith.constant 4 : i32
        %mul3A_341 = arith.muli %scan3A_267, %mul3A_340 : i32
        %add3A_342 = arith.constant 2 : i32
        %add3A_343 = arith.addi %mul3A_341, %add3A_342 : i32
        %get3A_344 = arith.constant 0 : i32
        %get3A_345 = arith.constant 0 : i32
        %get3A_346 = tpu.memref_slice %arg6[%scan3A_103, %get3A_344, %get3A_345] : memref<4x100x32xi32, #tpu.memory_space<vmem>> -> memref<1x100x32xi32, #tpu.memory_space<vmem>>
        %get3A_347 = tpu.memref_squeeze %get3A_346 : memref<1x100x32xi32, #tpu.memory_space<vmem>> -> memref<100x32xi32, #tpu.memory_space<vmem>>
        %get3A_348 = arith.index_cast %add3A_343 : i32 to index
        %get3A_349 = arith.constant 0 : index
        %get3A_350 = tpu.vector_load %get3A_347[%get3A_348, %get3A_349] {strides = array<i32>} : memref<100x32xi32, #tpu.memory_space<vmem>>, vector<16xi32>,
        %get3A_351 = arith.constant 0 : i32
        %get3A_352 = arith.constant 0 : i32
        %get3A_353 = tpu.memref_slice %arg6[%scan3A_103, %get3A_351, %get3A_352] : memref<4x100x32xi32, #tpu.memory_space<vmem>> -> memref<1x100x32xi32, #tpu.memory_space<vmem>>
        %get3A_354 = tpu.memref_squeeze %get3A_353 : memref<1x100x32xi32, #tpu.memory_space<vmem>> -> memref<100x32xi32, #tpu.memory_space<vmem>>
        %get3A_355 = arith.index_cast %add3A_343 : i32 to index
        %get3A_356 = arith.constant 16 : index
        %get3A_357 = tpu.vector_load %get3A_354[%get3A_355, %get3A_356] {strides = array<i32>} : memref<100x32xi32, #tpu.memory_space<vmem>>, vector<16xi32>,
        %shift_left3A_358 = arith.constant 16 : i32
        %shift_left3A_359 = vector.broadcast %shift_left3A_358 : i32 to vector<16xi32>
        %shift_left3A_360 = arith.shli %get3A_350, %shift_left3A_359 : vector<16xi32>
        %bitcast3A_361 = vector.bitcast %shift_left3A_360 : vector<16xi32> to vector<16xf32>
        %add3A_362 = arith.addf %add3A_326, %bitcast3A_361 : vector<16xf32>
        %shift_left3A_363 = arith.constant 16 : i32
        %shift_left3A_364 = vector.broadcast %shift_left3A_363 : i32 to vector<16xi32>
        %shift_left3A_365 = arith.shli %get3A_357, %shift_left3A_364 : vector<16xi32>
        %bitcast3A_366 = vector.bitcast %shift_left3A_365 : vector<16xi32> to vector<16xf32>
        %add3A_367 = arith.addf %add3A_331, %bitcast3A_366 : vector<16xf32>
        %and3A_368 = vector.broadcast %scan3A_71 : i32 to vector<16xi32>
        %and3A_369 = arith.andi %get3A_350, %and3A_368 : vector<16xi32>
        %bitcast3A_370 = vector.bitcast %and3A_369 : vector<16xi32> to vector<16xf32>
        %add3A_371 = arith.addf %add3A_335, %bitcast3A_370 : vector<16xf32>
        %and3A_372 = vector.broadcast %scan3A_71 : i32 to vector<16xi32>
        %and3A_373 = arith.andi %get3A_357, %and3A_372 : vector<16xi32>
        %bitcast3A_374 = vector.bitcast %and3A_373 : vector<16xi32> to vector<16xf32>
        %add3A_375 = arith.addf %add3A_339, %bitcast3A_374 : vector<16xf32>
        %mul3A_376 = arith.constant 4 : i32
        %mul3A_377 = arith.muli %scan3A_267, %mul3A_376 : i32
        %add3A_378 = arith.constant 3 : i32
        %add3A_379 = arith.addi %mul3A_377, %add3A_378 : i32
        %get3A_380 = arith.constant 0 : i32
        %get3A_381 = arith.constant 0 : i32
        %get3A_382 = tpu.memref_slice %arg6[%scan3A_103, %get3A_380, %get3A_381] : memref<4x100x32xi32, #tpu.memory_space<vmem>> -> memref<1x100x32xi32, #tpu.memory_space<vmem>>
        %get3A_383 = tpu.memref_squeeze %get3A_382 : memref<1x100x32xi32, #tpu.memory_space<vmem>> -> memref<100x32xi32, #tpu.memory_space<vmem>>
        %get3A_384 = arith.index_cast %add3A_379 : i32 to index
        %get3A_385 = arith.constant 0 : index
        %get3A_386 = tpu.vector_load %get3A_383[%get3A_384, %get3A_385] {strides = array<i32>} : memref<100x32xi32, #tpu.memory_space<vmem>>, vector<16xi32>,
        %get3A_387 = arith.constant 0 : i32
        %get3A_388 = arith.constant 0 : i32
        %get3A_389 = tpu.memref_slice %arg6[%scan3A_103, %get3A_387, %get3A_388] : memref<4x100x32xi32, #tpu.memory_space<vmem>> -> memref<1x100x32xi32, #tpu.memory_space<vmem>>
        %get3A_390 = tpu.memref_squeeze %get3A_389 : memref<1x100x32xi32, #tpu.memory_space<vmem>> -> memref<100x32xi32, #tpu.memory_space<vmem>>
        %get3A_391 = arith.index_cast %add3A_379 : i32 to index
        %get3A_392 = arith.constant 16 : index
        %get3A_393 = tpu.vector_load %get3A_390[%get3A_391, %get3A_392] {strides = array<i32>} : memref<100x32xi32, #tpu.memory_space<vmem>>, vector<16xi32>,
        %shift_left3A_394 = arith.constant 16 : i32
        %shift_left3A_395 = vector.broadcast %shift_left3A_394 : i32 to vector<16xi32>
        %shift_left3A_396 = arith.shli %get3A_386, %shift_left3A_395 : vector<16xi32>
        %bitcast3A_397 = vector.bitcast %shift_left3A_396 : vector<16xi32> to vector<16xf32>
        %add3A_398 = arith.addf %add3A_362, %bitcast3A_397 : vector<16xf32>
        %shift_left3A_399 = arith.constant 16 : i32
        %shift_left3A_400 = vector.broadcast %shift_left3A_399 : i32 to vector<16xi32>
        %shift_left3A_401 = arith.shli %get3A_393, %shift_left3A_400 : vector<16xi32>
        %bitcast3A_402 = vector.bitcast %shift_left3A_401 : vector<16xi32> to vector<16xf32>
        %add3A_403 = arith.addf %add3A_367, %bitcast3A_402 : vector<16xf32>
        %and3A_404 = vector.broadcast %scan3A_71 : i32 to vector<16xi32>
        %and3A_405 = arith.andi %get3A_386, %and3A_404 : vector<16xi32>
        %bitcast3A_406 = vector.bitcast %and3A_405 : vector<16xi32> to vector<16xf32>
        %add3A_407 = arith.addf %add3A_371, %bitcast3A_406 : vector<16xf32>
        %and3A_408 = vector.broadcast %scan3A_71 : i32 to vector<16xi32>
        %and3A_409 = arith.andi %get3A_393, %and3A_408 : vector<16xi32>
        %bitcast3A_410 = vector.bitcast %and3A_409 : vector<16xi32> to vector<16xf32>
        %add3A_411 = arith.addf %add3A_375, %bitcast3A_410 : vector<16xf32>
        scf.yield %add3A_398, %add3A_403, %add3A_407, %add3A_411 : vector<16xf32>, vector<16xf32>, vector<16xf32>, vector<16xf32>
      }
      %scan3A_109 = arith.constant 25 : i32
      %add3A_110 = arith.constant 4 : i32
      %add3A_111 = arith.addi %add3A_89, %add3A_110 : i32
      %lt3A = arith.constant 256 : i32
      %lt3A_112 = arith.cmpi slt, %add3A_111, %lt3A : i32
      %convert_element_type3A = arith.extui %lt3A_112 : i1 to i32
      %cond3A = arith.constant 0 : i32
      %cond3A_113 = arith.cmpi ne, %convert_element_type3A, %cond3A : i32
      scf.if %cond3A_113 {
        %dma_start3A_267 = arith.constant 0 : i32
        %dma_start3A_268 = arith.constant 0 : i32
        %dma_start3A_269 = arith.constant 0 : i32
        %dma_start3A_270 = arith.constant 0 : i32
        %dma_start3A_271 = tpu.memref_slice %arg6[%dma_start3A_267, %dma_start3A_269, %dma_start3A_270] : memref<4x100x32xi32, #tpu.memory_space<vmem>> -> memref<1x100x32xi32, #tpu.memory_space<vmem>>
        %dma_start3A_272 = tpu.memref_squeeze %dma_start3A_271 : memref<1x100x32xi32, #tpu.memory_space<vmem>> -> memref<100x32xi32, #tpu.memory_space<vmem>>
        %dma_start3A_273 = arith.constant 0 : i32
        %dma_start3A_274 = tpu.memref_slice %arg5[%add3A_111, %dma_start3A_273] : memref<256x100xi32, #tpu.memory_space<vmem>> -> memref<1x100xi32, #tpu.memory_space<vmem>>
        %dma_start3A_275 = tpu.memref_squeeze %dma_start3A_274 : memref<1x100xi32, #tpu.memory_space<vmem>> -> memref<100xi32, #tpu.memory_space<vmem>>
        %dma_start3A_276 = arith.constant 0 : i32
        %dma_start3A_277 = arith.constant 0 : i32
        %dma_start3A_278 = tpu.memref_slice %arg2[%dma_start3A_276, %dma_start3A_277] : memref<1015808x32xi32, #tpu.memory_space<hbm>> -> memref<1015808x32xi32, #tpu.memory_space<hbm>>
        %dma_start3A_279 = tpu.memref_slice %arg8[%dma_start3A_268] : memref<4x!tpu.dma_semaphore, #tpu.memory_space<semaphore_mem>> -> memref<1x!tpu.dma_semaphore, #tpu.memory_space<semaphore_mem>>
        %dma_start3A_280 = tpu.memref_squeeze %dma_start3A_279 : memref<1x!tpu.dma_semaphore, #tpu.memory_space<semaphore_mem>> -> memref<!tpu.dma_semaphore, #tpu.memory_space<semaphore_mem>>
        tpu.enqueue_indirect_dma source(%dma_start3A_278 : memref<1015808x32xi32, #tpu.memory_space<hbm>>) target(%dma_start3A_272 : memref<100x32xi32, #tpu.memory_space<vmem>>) offsets(%dma_start3A_275 : memref<100xi32, #tpu.memory_space<vmem>>) semaphore(%dma_start3A_280 : memref<!tpu.dma_semaphore, #tpu.memory_space<semaphore_mem>>)
      } else {
      }
      %add3A_114 = arith.constant 1 : i32
      %add3A_115 = arith.addi %mul3A_80, %add3A_114 : i32
      %dma_wait3A_116 = arith.constant 1 : i32
      %dma_wait3A_117 = arith.constant 1 : i32
      %dma_wait3A_118 = arith.constant 0 : i32
      %dma_wait3A_119 = arith.constant 0 : i32
      %dma_wait3A_120 = tpu.memref_slice %arg6[%dma_wait3A_116, %dma_wait3A_118, %dma_wait3A_119] : memref<4x100x32xi32, #tpu.memory_space<vmem>> -> memref<1x100x32xi32, #tpu.memory_space<vmem>>
      %dma_wait3A_121 = tpu.memref_squeeze %dma_wait3A_120 : memref<1x100x32xi32, #tpu.memory_space<vmem>> -> memref<100x32xi32, #tpu.memory_space<vmem>>
      %dma_wait3A_122 = arith.constant 0 : i32
      %dma_wait3A_123 = tpu.memref_slice %arg5[%mul3A_80, %dma_wait3A_122] : memref<256x100xi32, #tpu.memory_space<vmem>> -> memref<1x100xi32, #tpu.memory_space<vmem>>
      %dma_wait3A_124 = tpu.memref_squeeze %dma_wait3A_123 : memref<1x100xi32, #tpu.memory_space<vmem>> -> memref<100xi32, #tpu.memory_space<vmem>>
      %dma_wait3A_125 = arith.constant 0 : i32
      %dma_wait3A_126 = arith.constant 0 : i32
      %dma_wait3A_127 = tpu.memref_slice %arg2[%dma_wait3A_125, %dma_wait3A_126] : memref<1015808x32xi32, #tpu.memory_space<hbm>> -> memref<1015808x32xi32, #tpu.memory_space<hbm>>
      %dma_wait3A_128 = tpu.memref_slice %arg8[%dma_wait3A_117] : memref<4x!tpu.dma_semaphore, #tpu.memory_space<semaphore_mem>> -> memref<1x!tpu.dma_semaphore, #tpu.memory_space<semaphore_mem>>
      %dma_wait3A_129 = tpu.memref_squeeze %dma_wait3A_128 : memref<1x!tpu.dma_semaphore, #tpu.memory_space<semaphore_mem>> -> memref<!tpu.dma_semaphore, #tpu.memory_space<semaphore_mem>>
      tpu.wait_indirect_dma semaphore(%dma_wait3A_129 : memref<!tpu.dma_semaphore, #tpu.memory_space<semaphore_mem>>) src(%dma_wait3A_127 : memref<1015808x32xi32, #tpu.memory_space<hbm>>) dst(%dma_wait3A_121 : memref<100x32xi32, #tpu.memory_space<vmem>>)
      %scan3A_130 = arith.constant 1 : i32
      %scan3A_131 = arith.constant 0 : i32
      %scan3A_132 = arith.constant 25 : i32
      %scan3A_133 = arith.addi %scan3A_131, %scan3A_132 : i32
      %scan3A_134 = arith.constant 1 : i32
      %scan3A_135:4 = scf.for %scan3A_267 = %scan3A_131 to %scan3A_133 step %scan3A_134 iter_args(%scan3A_268 = %scan3A_108#0, %scan3A_269 = %scan3A_108#1, %scan3A_270 = %scan3A_108#2, %scan3A_271 = %scan3A_108#3) -> (vector<16xf32>, vector<16xf32>, vector<16xf32>, vector<16xf32>)  : i32 {
        %mul3A_272 = arith.constant 4 : i32
        %mul3A_273 = arith.muli %scan3A_267, %mul3A_272 : i32
        %add3A_274 = arith.constant 0 : i32
        %add3A_275 = arith.addi %mul3A_273, %add3A_274 : i32
        %get3A = arith.constant 0 : i32
        %get3A_276 = arith.constant 0 : i32
        %get3A_277 = tpu.memref_slice %arg6[%scan3A_130, %get3A, %get3A_276] : memref<4x100x32xi32, #tpu.memory_space<vmem>> -> memref<1x100x32xi32, #tpu.memory_space<vmem>>
        %get3A_278 = tpu.memref_squeeze %get3A_277 : memref<1x100x32xi32, #tpu.memory_space<vmem>> -> memref<100x32xi32, #tpu.memory_space<vmem>>
        %get3A_279 = arith.index_cast %add3A_275 : i32 to index
        %get3A_280 = arith.constant 0 : index
        %get3A_281 = tpu.vector_load %get3A_278[%get3A_279, %get3A_280] {strides = array<i32>} : memref<100x32xi32, #tpu.memory_space<vmem>>, vector<16xi32>,
        %get3A_282 = arith.constant 0 : i32
        %get3A_283 = arith.constant 0 : i32
        %get3A_284 = tpu.memref_slice %arg6[%scan3A_130, %get3A_282, %get3A_283] : memref<4x100x32xi32, #tpu.memory_space<vmem>> -> memref<1x100x32xi32, #tpu.memory_space<vmem>>
        %get3A_285 = tpu.memref_squeeze %get3A_284 : memref<1x100x32xi32, #tpu.memory_space<vmem>> -> memref<100x32xi32, #tpu.memory_space<vmem>>
        %get3A_286 = arith.index_cast %add3A_275 : i32 to index
        %get3A_287 = arith.constant 16 : index
        %get3A_288 = tpu.vector_load %get3A_285[%get3A_286, %get3A_287] {strides = array<i32>} : memref<100x32xi32, #tpu.memory_space<vmem>>, vector<16xi32>,
        %shift_left3A = arith.constant 16 : i32
        %shift_left3A_289 = vector.broadcast %shift_left3A : i32 to vector<16xi32>
        %shift_left3A_290 = arith.shli %get3A_281, %shift_left3A_289 : vector<16xi32>
        %bitcast3A = vector.bitcast %shift_left3A_290 : vector<16xi32> to vector<16xf32>
        %add3A_291 = arith.addf %scan3A_268, %bitcast3A : vector<16xf32>
        %shift_left3A_292 = arith.constant 16 : i32
        %shift_left3A_293 = vector.broadcast %shift_left3A_292 : i32 to vector<16xi32>
        %shift_left3A_294 = arith.shli %get3A_288, %shift_left3A_293 : vector<16xi32>
        %bitcast3A_295 = vector.bitcast %shift_left3A_294 : vector<16xi32> to vector<16xf32>
        %add3A_296 = arith.addf %scan3A_269, %bitcast3A_295 : vector<16xf32>
        %and3A = vector.broadcast %scan3A_71 : i32 to vector<16xi32>
        %and3A_297 = arith.andi %get3A_281, %and3A : vector<16xi32>
        %bitcast3A_298 = vector.bitcast %and3A_297 : vector<16xi32> to vector<16xf32>
        %add3A_299 = arith.addf %scan3A_270, %bitcast3A_298 : vector<16xf32>
        %and3A_300 = vector.broadcast %scan3A_71 : i32 to vector<16xi32>
        %and3A_301 = arith.andi %get3A_288, %and3A_300 : vector<16xi32>
        %bitcast3A_302 = vector.bitcast %and3A_301 : vector<16xi32> to vector<16xf32>
        %add3A_303 = arith.addf %scan3A_271, %bitcast3A_302 : vector<16xf32>
        %mul3A_304 = arith.constant 4 : i32
        %mul3A_305 = arith.muli %scan3A_267, %mul3A_304 : i32
        %add3A_306 = arith.constant 1 : i32
        %add3A_307 = arith.addi %mul3A_305, %add3A_306 : i32
        %get3A_308 = arith.constant 0 : i32
        %get3A_309 = arith.constant 0 : i32
        %get3A_310 = tpu.memref_slice %arg6[%scan3A_130, %get3A_308, %get3A_309] : memref<4x100x32xi32, #tpu.memory_space<vmem>> -> memref<1x100x32xi32, #tpu.memory_space<vmem>>
        %get3A_311 = tpu.memref_squeeze %get3A_310 : memref<1x100x32xi32, #tpu.memory_space<vmem>> -> memref<100x32xi32, #tpu.memory_space<vmem>>
        %get3A_312 = arith.index_cast %add3A_307 : i32 to index
        %get3A_313 = arith.constant 0 : index
        %get3A_314 = tpu.vector_load %get3A_311[%get3A_312, %get3A_313] {strides = array<i32>} : memref<100x32xi32, #tpu.memory_space<vmem>>, vector<16xi32>,
        %get3A_315 = arith.constant 0 : i32
        %get3A_316 = arith.constant 0 : i32
        %get3A_317 = tpu.memref_slice %arg6[%scan3A_130, %get3A_315, %get3A_316] : memref<4x100x32xi32, #tpu.memory_space<vmem>> -> memref<1x100x32xi32, #tpu.memory_space<vmem>>
        %get3A_318 = tpu.memref_squeeze %get3A_317 : memref<1x100x32xi32, #tpu.memory_space<vmem>> -> memref<100x32xi32, #tpu.memory_space<vmem>>
        %get3A_319 = arith.index_cast %add3A_307 : i32 to index
        %get3A_320 = arith.constant 16 : index
        %get3A_321 = tpu.vector_load %get3A_318[%get3A_319, %get3A_320] {strides = array<i32>} : memref<100x32xi32, #tpu.memory_space<vmem>>, vector<16xi32>,
        %shift_left3A_322 = arith.constant 16 : i32
        %shift_left3A_323 = vector.broadcast %shift_left3A_322 : i32 to vector<16xi32>
        %shift_left3A_324 = arith.shli %get3A_314, %shift_left3A_323 : vector<16xi32>
        %bitcast3A_325 = vector.bitcast %shift_left3A_324 : vector<16xi32> to vector<16xf32>
        %add3A_326 = arith.addf %add3A_291, %bitcast3A_325 : vector<16xf32>
        %shift_left3A_327 = arith.constant 16 : i32
        %shift_left3A_328 = vector.broadcast %shift_left3A_327 : i32 to vector<16xi32>
        %shift_left3A_329 = arith.shli %get3A_321, %shift_left3A_328 : vector<16xi32>
        %bitcast3A_330 = vector.bitcast %shift_left3A_329 : vector<16xi32> to vector<16xf32>
        %add3A_331 = arith.addf %add3A_296, %bitcast3A_330 : vector<16xf32>
        %and3A_332 = vector.broadcast %scan3A_71 : i32 to vector<16xi32>
        %and3A_333 = arith.andi %get3A_314, %and3A_332 : vector<16xi32>
        %bitcast3A_334 = vector.bitcast %and3A_333 : vector<16xi32> to vector<16xf32>
        %add3A_335 = arith.addf %add3A_299, %bitcast3A_334 : vector<16xf32>
        %and3A_336 = vector.broadcast %scan3A_71 : i32 to vector<16xi32>
        %and3A_337 = arith.andi %get3A_321, %and3A_336 : vector<16xi32>
        %bitcast3A_338 = vector.bitcast %and3A_337 : vector<16xi32> to vector<16xf32>
        %add3A_339 = arith.addf %add3A_303, %bitcast3A_338 : vector<16xf32>
        %mul3A_340 = arith.constant 4 : i32
        %mul3A_341 = arith.muli %scan3A_267, %mul3A_340 : i32
        %add3A_342 = arith.constant 2 : i32
        %add3A_343 = arith.addi %mul3A_341, %add3A_342 : i32
        %get3A_344 = arith.constant 0 : i32
        %get3A_345 = arith.constant 0 : i32
        %get3A_346 = tpu.memref_slice %arg6[%scan3A_130, %get3A_344, %get3A_345] : memref<4x100x32xi32, #tpu.memory_space<vmem>> -> memref<1x100x32xi32, #tpu.memory_space<vmem>>
        %get3A_347 = tpu.memref_squeeze %get3A_346 : memref<1x100x32xi32, #tpu.memory_space<vmem>> -> memref<100x32xi32, #tpu.memory_space<vmem>>
        %get3A_348 = arith.index_cast %add3A_343 : i32 to index
        %get3A_349 = arith.constant 0 : index
        %get3A_350 = tpu.vector_load %get3A_347[%get3A_348, %get3A_349] {strides = array<i32>} : memref<100x32xi32, #tpu.memory_space<vmem>>, vector<16xi32>,
        %get3A_351 = arith.constant 0 : i32
        %get3A_352 = arith.constant 0 : i32
        %get3A_353 = tpu.memref_slice %arg6[%scan3A_130, %get3A_351, %get3A_352] : memref<4x100x32xi32, #tpu.memory_space<vmem>> -> memref<1x100x32xi32, #tpu.memory_space<vmem>>
        %get3A_354 = tpu.memref_squeeze %get3A_353 : memref<1x100x32xi32, #tpu.memory_space<vmem>> -> memref<100x32xi32, #tpu.memory_space<vmem>>
        %get3A_355 = arith.index_cast %add3A_343 : i32 to index
        %get3A_356 = arith.constant 16 : index
        %get3A_357 = tpu.vector_load %get3A_354[%get3A_355, %get3A_356] {strides = array<i32>} : memref<100x32xi32, #tpu.memory_space<vmem>>, vector<16xi32>,
        %shift_left3A_358 = arith.constant 16 : i32
        %shift_left3A_359 = vector.broadcast %shift_left3A_358 : i32 to vector<16xi32>
        %shift_left3A_360 = arith.shli %get3A_350, %shift_left3A_359 : vector<16xi32>
        %bitcast3A_361 = vector.bitcast %shift_left3A_360 : vector<16xi32> to vector<16xf32>
        %add3A_362 = arith.addf %add3A_326, %bitcast3A_361 : vector<16xf32>
        %shift_left3A_363 = arith.constant 16 : i32
        %shift_left3A_364 = vector.broadcast %shift_left3A_363 : i32 to vector<16xi32>
        %shift_left3A_365 = arith.shli %get3A_357, %shift_left3A_364 : vector<16xi32>
        %bitcast3A_366 = vector.bitcast %shift_left3A_365 : vector<16xi32> to vector<16xf32>
        %add3A_367 = arith.addf %add3A_331, %bitcast3A_366 : vector<16xf32>
        %and3A_368 = vector.broadcast %scan3A_71 : i32 to vector<16xi32>
        %and3A_369 = arith.andi %get3A_350, %and3A_368 : vector<16xi32>
        %bitcast3A_370 = vector.bitcast %and3A_369 : vector<16xi32> to vector<16xf32>
        %add3A_371 = arith.addf %add3A_335, %bitcast3A_370 : vector<16xf32>
        %and3A_372 = vector.broadcast %scan3A_71 : i32 to vector<16xi32>
        %and3A_373 = arith.andi %get3A_357, %and3A_372 : vector<16xi32>
        %bitcast3A_374 = vector.bitcast %and3A_373 : vector<16xi32> to vector<16xf32>
        %add3A_375 = arith.addf %add3A_339, %bitcast3A_374 : vector<16xf32>
        %mul3A_376 = arith.constant 4 : i32
        %mul3A_377 = arith.muli %scan3A_267, %mul3A_376 : i32
        %add3A_378 = arith.constant 3 : i32
        %add3A_379 = arith.addi %mul3A_377, %add3A_378 : i32
        %get3A_380 = arith.constant 0 : i32
        %get3A_381 = arith.constant 0 : i32
        %get3A_382 = tpu.memref_slice %arg6[%scan3A_130, %get3A_380, %get3A_381] : memref<4x100x32xi32, #tpu.memory_space<vmem>> -> memref<1x100x32xi32, #tpu.memory_space<vmem>>
        %get3A_383 = tpu.memref_squeeze %get3A_382 : memref<1x100x32xi32, #tpu.memory_space<vmem>> -> memref<100x32xi32, #tpu.memory_space<vmem>>
        %get3A_384 = arith.index_cast %add3A_379 : i32 to index
        %get3A_385 = arith.constant 0 : index
        %get3A_386 = tpu.vector_load %get3A_383[%get3A_384, %get3A_385] {strides = array<i32>} : memref<100x32xi32, #tpu.memory_space<vmem>>, vector<16xi32>,
        %get3A_387 = arith.constant 0 : i32
        %get3A_388 = arith.constant 0 : i32
        %get3A_389 = tpu.memref_slice %arg6[%scan3A_130, %get3A_387, %get3A_388] : memref<4x100x32xi32, #tpu.memory_space<vmem>> -> memref<1x100x32xi32, #tpu.memory_space<vmem>>
        %get3A_390 = tpu.memref_squeeze %get3A_389 : memref<1x100x32xi32, #tpu.memory_space<vmem>> -> memref<100x32xi32, #tpu.memory_space<vmem>>
        %get3A_391 = arith.index_cast %add3A_379 : i32 to index
        %get3A_392 = arith.constant 16 : index
        %get3A_393 = tpu.vector_load %get3A_390[%get3A_391, %get3A_392] {strides = array<i32>} : memref<100x32xi32, #tpu.memory_space<vmem>>, vector<16xi32>,
        %shift_left3A_394 = arith.constant 16 : i32
        %shift_left3A_395 = vector.broadcast %shift_left3A_394 : i32 to vector<16xi32>
        %shift_left3A_396 = arith.shli %get3A_386, %shift_left3A_395 : vector<16xi32>
        %bitcast3A_397 = vector.bitcast %shift_left3A_396 : vector<16xi32> to vector<16xf32>
        %add3A_398 = arith.addf %add3A_362, %bitcast3A_397 : vector<16xf32>
        %shift_left3A_399 = arith.constant 16 : i32
        %shift_left3A_400 = vector.broadcast %shift_left3A_399 : i32 to vector<16xi32>
        %shift_left3A_401 = arith.shli %get3A_393, %shift_left3A_400 : vector<16xi32>
        %bitcast3A_402 = vector.bitcast %shift_left3A_401 : vector<16xi32> to vector<16xf32>
        %add3A_403 = arith.addf %add3A_367, %bitcast3A_402 : vector<16xf32>
        %and3A_404 = vector.broadcast %scan3A_71 : i32 to vector<16xi32>
        %and3A_405 = arith.andi %get3A_386, %and3A_404 : vector<16xi32>
        %bitcast3A_406 = vector.bitcast %and3A_405 : vector<16xi32> to vector<16xf32>
        %add3A_407 = arith.addf %add3A_371, %bitcast3A_406 : vector<16xf32>
        %and3A_408 = vector.broadcast %scan3A_71 : i32 to vector<16xi32>
        %and3A_409 = arith.andi %get3A_393, %and3A_408 : vector<16xi32>
        %bitcast3A_410 = vector.bitcast %and3A_409 : vector<16xi32> to vector<16xf32>
        %add3A_411 = arith.addf %add3A_375, %bitcast3A_410 : vector<16xf32>
        scf.yield %add3A_398, %add3A_403, %add3A_407, %add3A_411 : vector<16xf32>, vector<16xf32>, vector<16xf32>, vector<16xf32>
      }
      %scan3A_136 = arith.constant 25 : i32
      %mul3A_137 = arith.constant 2 : i32
      %mul3A_138 = arith.muli %scan3A_78, %mul3A_137 : i32
      %add3A_139 = arith.constant 0 : i32
      %add3A_140 = arith.addi %mul3A_138, %add3A_139 : i32
      %mul3A_141 = vector.broadcast %scan3A_72 : f32 to vector<16xf32>
      %mul3A_142 = arith.mulf %scan3A_135#0, %mul3A_141 : vector<16xf32>
      %swap3A = arith.index_cast %add3A_140 : i32 to index
      %swap3A_143 = arith.constant 0 : index
      %swap3A_144 = tpu.vector_load %arg7[%swap3A, %swap3A_143] {strides = array<i32>} : memref<128x64xf32, #tpu.memory_space<vmem>>, vector<16xf32>,
      tpu.vector_store %arg7[%swap3A, %swap3A_143], %mul3A_142 {strides = array<i32>} : memref<128x64xf32, #tpu.memory_space<vmem>>, vector<16xf32>,
      %mul3A_145 = vector.broadcast %scan3A_72 : f32 to vector<16xf32>
      %mul3A_146 = arith.mulf %scan3A_135#1, %mul3A_145 : vector<16xf32>
      %swap3A_147 = arith.index_cast %add3A_140 : i32 to index
      %swap3A_148 = arith.constant 16 : index
      %swap3A_149 = tpu.vector_load %arg7[%swap3A_147, %swap3A_148] {strides = array<i32>} : memref<128x64xf32, #tpu.memory_space<vmem>>, vector<16xf32>,
      tpu.vector_store %arg7[%swap3A_147, %swap3A_148], %mul3A_146 {strides = array<i32>} : memref<128x64xf32, #tpu.memory_space<vmem>>, vector<16xf32>,
      %mul3A_150 = vector.broadcast %scan3A_72 : f32 to vector<16xf32>
      %mul3A_151 = arith.mulf %scan3A_135#2, %mul3A_150 : vector<16xf32>
      %swap3A_152 = arith.index_cast %add3A_140 : i32 to index
      %swap3A_153 = arith.constant 32 : index
      %swap3A_154 = tpu.vector_load %arg7[%swap3A_152, %swap3A_153] {strides = array<i32>} : memref<128x64xf32, #tpu.memory_space<vmem>>, vector<16xf32>,
      tpu.vector_store %arg7[%swap3A_152, %swap3A_153], %mul3A_151 {strides = array<i32>} : memref<128x64xf32, #tpu.memory_space<vmem>>, vector<16xf32>,
      %mul3A_155 = vector.broadcast %scan3A_72 : f32 to vector<16xf32>
      %mul3A_156 = arith.mulf %scan3A_135#3, %mul3A_155 : vector<16xf32>
      %swap3A_157 = arith.index_cast %add3A_140 : i32 to index
      %swap3A_158 = arith.constant 48 : index
      %swap3A_159 = tpu.vector_load %arg7[%swap3A_157, %swap3A_158] {strides = array<i32>} : memref<128x64xf32, #tpu.memory_space<vmem>>, vector<16xf32>,
      tpu.vector_store %arg7[%swap3A_157, %swap3A_158], %mul3A_156 {strides = array<i32>} : memref<128x64xf32, #tpu.memory_space<vmem>>, vector<16xf32>,
      %broadcast_in_dim3A_160 = arith.constant 0.000000e+00 : f32
      %broadcast_in_dim3A_161 = vector.broadcast %broadcast_in_dim3A_160 : f32 to vector<16xf32>
      %broadcast_in_dim3A_162 = arith.constant 0.000000e+00 : f32
      %broadcast_in_dim3A_163 = vector.broadcast %broadcast_in_dim3A_162 : f32 to vector<16xf32>
      %broadcast_in_dim3A_164 = arith.constant 0.000000e+00 : f32
      %broadcast_in_dim3A_165 = vector.broadcast %broadcast_in_dim3A_164 : f32 to vector<16xf32>
      %broadcast_in_dim3A_166 = arith.constant 0.000000e+00 : f32
      %broadcast_in_dim3A_167 = vector.broadcast %broadcast_in_dim3A_166 : f32 to vector<16xf32>
      %add3A_168 = arith.constant 4 : i32
      %add3A_169 = arith.addi %add3A_115, %add3A_168 : i32
      %lt3A_170 = arith.constant 256 : i32
      %lt3A_171 = arith.cmpi slt, %add3A_169, %lt3A_170 : i32
      %convert_element_type3A_172 = arith.extui %lt3A_171 : i1 to i32
      %cond3A_173 = arith.constant 0 : i32
      %cond3A_174 = arith.cmpi ne, %convert_element_type3A_172, %cond3A_173 : i32
      scf.if %cond3A_174 {
        %dma_start3A_267 = arith.constant 1 : i32
        %dma_start3A_268 = arith.constant 1 : i32
        %dma_start3A_269 = arith.constant 0 : i32
        %dma_start3A_270 = arith.constant 0 : i32
        %dma_start3A_271 = tpu.memref_slice %arg6[%dma_start3A_267, %dma_start3A_269, %dma_start3A_270] : memref<4x100x32xi32, #tpu.memory_space<vmem>> -> memref<1x100x32xi32, #tpu.memory_space<vmem>>
        %dma_start3A_272 = tpu.memref_squeeze %dma_start3A_271 : memref<1x100x32xi32, #tpu.memory_space<vmem>> -> memref<100x32xi32, #tpu.memory_space<vmem>>
        %dma_start3A_273 = arith.constant 0 : i32
        %dma_start3A_274 = tpu.memref_slice %arg5[%add3A_169, %dma_start3A_273] : memref<256x100xi32, #tpu.memory_space<vmem>> -> memref<1x100xi32, #tpu.memory_space<vmem>>
        %dma_start3A_275 = tpu.memref_squeeze %dma_start3A_274 : memref<1x100xi32, #tpu.memory_space<vmem>> -> memref<100xi32, #tpu.memory_space<vmem>>
        %dma_start3A_276 = arith.constant 0 : i32
        %dma_start3A_277 = arith.constant 0 : i32
        %dma_start3A_278 = tpu.memref_slice %arg2[%dma_start3A_276, %dma_start3A_277] : memref<1015808x32xi32, #tpu.memory_space<hbm>> -> memref<1015808x32xi32, #tpu.memory_space<hbm>>
        %dma_start3A_279 = tpu.memref_slice %arg8[%dma_start3A_268] : memref<4x!tpu.dma_semaphore, #tpu.memory_space<semaphore_mem>> -> memref<1x!tpu.dma_semaphore, #tpu.memory_space<semaphore_mem>>
        %dma_start3A_280 = tpu.memref_squeeze %dma_start3A_279 : memref<1x!tpu.dma_semaphore, #tpu.memory_space<semaphore_mem>> -> memref<!tpu.dma_semaphore, #tpu.memory_space<semaphore_mem>>
        tpu.enqueue_indirect_dma source(%dma_start3A_278 : memref<1015808x32xi32, #tpu.memory_space<hbm>>) target(%dma_start3A_272 : memref<100x32xi32, #tpu.memory_space<vmem>>) offsets(%dma_start3A_275 : memref<100xi32, #tpu.memory_space<vmem>>) semaphore(%dma_start3A_280 : memref<!tpu.dma_semaphore, #tpu.memory_space<semaphore_mem>>)
      } else {
      }
      %add3A_175 = arith.constant 2 : i32
      %add3A_176 = arith.addi %mul3A_80, %add3A_175 : i32
      %dma_wait3A_177 = arith.constant 2 : i32
      %dma_wait3A_178 = arith.constant 2 : i32
      %dma_wait3A_179 = arith.constant 0 : i32
      %dma_wait3A_180 = arith.constant 0 : i32
      %dma_wait3A_181 = tpu.memref_slice %arg6[%dma_wait3A_177, %dma_wait3A_179, %dma_wait3A_180] : memref<4x100x32xi32, #tpu.memory_space<vmem>> -> memref<1x100x32xi32, #tpu.memory_space<vmem>>
      %dma_wait3A_182 = tpu.memref_squeeze %dma_wait3A_181 : memref<1x100x32xi32, #tpu.memory_space<vmem>> -> memref<100x32xi32, #tpu.memory_space<vmem>>
      %dma_wait3A_183 = arith.constant 0 : i32
      %dma_wait3A_184 = tpu.memref_slice %arg5[%mul3A_80, %dma_wait3A_183] : memref<256x100xi32, #tpu.memory_space<vmem>> -> memref<1x100xi32, #tpu.memory_space<vmem>>
      %dma_wait3A_185 = tpu.memref_squeeze %dma_wait3A_184 : memref<1x100xi32, #tpu.memory_space<vmem>> -> memref<100xi32, #tpu.memory_space<vmem>>
      %dma_wait3A_186 = arith.constant 0 : i32
      %dma_wait3A_187 = arith.constant 0 : i32
      %dma_wait3A_188 = tpu.memref_slice %arg2[%dma_wait3A_186, %dma_wait3A_187] : memref<1015808x32xi32, #tpu.memory_space<hbm>> -> memref<1015808x32xi32, #tpu.memory_space<hbm>>
      %dma_wait3A_189 = tpu.memref_slice %arg8[%dma_wait3A_178] : memref<4x!tpu.dma_semaphore, #tpu.memory_space<semaphore_mem>> -> memref<1x!tpu.dma_semaphore, #tpu.memory_space<semaphore_mem>>
      %dma_wait3A_190 = tpu.memref_squeeze %dma_wait3A_189 : memref<1x!tpu.dma_semaphore, #tpu.memory_space<semaphore_mem>> -> memref<!tpu.dma_semaphore, #tpu.memory_space<semaphore_mem>>
      tpu.wait_indirect_dma semaphore(%dma_wait3A_190 : memref<!tpu.dma_semaphore, #tpu.memory_space<semaphore_mem>>) src(%dma_wait3A_188 : memref<1015808x32xi32, #tpu.memory_space<hbm>>) dst(%dma_wait3A_182 : memref<100x32xi32, #tpu.memory_space<vmem>>)
      %scan3A_191 = arith.constant 2 : i32
      %scan3A_192 = arith.constant 0 : i32
      %scan3A_193 = arith.constant 25 : i32
      %scan3A_194 = arith.addi %scan3A_192, %scan3A_193 : i32
      %scan3A_195 = arith.constant 1 : i32
      %scan3A_196:4 = scf.for %scan3A_267 = %scan3A_192 to %scan3A_194 step %scan3A_195 iter_args(%scan3A_268 = %broadcast_in_dim3A_161, %scan3A_269 = %broadcast_in_dim3A_163, %scan3A_270 = %broadcast_in_dim3A_165, %scan3A_271 = %broadcast_in_dim3A_167) -> (vector<16xf32>, vector<16xf32>, vector<16xf32>, vector<16xf32>)  : i32 {
        %mul3A_272 = arith.constant 4 : i32
        %mul3A_273 = arith.muli %scan3A_267, %mul3A_272 : i32
        %add3A_274 = arith.constant 0 : i32
        %add3A_275 = arith.addi %mul3A_273, %add3A_274 : i32
        %get3A = arith.constant 0 : i32
        %get3A_276 = arith.constant 0 : i32
        %get3A_277 = tpu.memref_slice %arg6[%scan3A_191, %get3A, %get3A_276] : memref<4x100x32xi32, #tpu.memory_space<vmem>> -> memref<1x100x32xi32, #tpu.memory_space<vmem>>
        %get3A_278 = tpu.memref_squeeze %get3A_277 : memref<1x100x32xi32, #tpu.memory_space<vmem>> -> memref<100x32xi32, #tpu.memory_space<vmem>>
        %get3A_279 = arith.index_cast %add3A_275 : i32 to index
        %get3A_280 = arith.constant 0 : index
        %get3A_281 = tpu.vector_load %get3A_278[%get3A_279, %get3A_280] {strides = array<i32>} : memref<100x32xi32, #tpu.memory_space<vmem>>, vector<16xi32>,
        %get3A_282 = arith.constant 0 : i32
        %get3A_283 = arith.constant 0 : i32
        %get3A_284 = tpu.memref_slice %arg6[%scan3A_191, %get3A_282, %get3A_283] : memref<4x100x32xi32, #tpu.memory_space<vmem>> -> memref<1x100x32xi32, #tpu.memory_space<vmem>>
        %get3A_285 = tpu.memref_squeeze %get3A_284 : memref<1x100x32xi32, #tpu.memory_space<vmem>> -> memref<100x32xi32, #tpu.memory_space<vmem>>
        %get3A_286 = arith.index_cast %add3A_275 : i32 to index
        %get3A_287 = arith.constant 16 : index
        %get3A_288 = tpu.vector_load %get3A_285[%get3A_286, %get3A_287] {strides = array<i32>} : memref<100x32xi32, #tpu.memory_space<vmem>>, vector<16xi32>,
        %shift_left3A = arith.constant 16 : i32
        %shift_left3A_289 = vector.broadcast %shift_left3A : i32 to vector<16xi32>
        %shift_left3A_290 = arith.shli %get3A_281, %shift_left3A_289 : vector<16xi32>
        %bitcast3A = vector.bitcast %shift_left3A_290 : vector<16xi32> to vector<16xf32>
        %add3A_291 = arith.addf %scan3A_268, %bitcast3A : vector<16xf32>
        %shift_left3A_292 = arith.constant 16 : i32
        %shift_left3A_293 = vector.broadcast %shift_left3A_292 : i32 to vector<16xi32>
        %shift_left3A_294 = arith.shli %get3A_288, %shift_left3A_293 : vector<16xi32>
        %bitcast3A_295 = vector.bitcast %shift_left3A_294 : vector<16xi32> to vector<16xf32>
        %add3A_296 = arith.addf %scan3A_269, %bitcast3A_295 : vector<16xf32>
        %and3A = vector.broadcast %scan3A_71 : i32 to vector<16xi32>
        %and3A_297 = arith.andi %get3A_281, %and3A : vector<16xi32>
        %bitcast3A_298 = vector.bitcast %and3A_297 : vector<16xi32> to vector<16xf32>
        %add3A_299 = arith.addf %scan3A_270, %bitcast3A_298 : vector<16xf32>
        %and3A_300 = vector.broadcast %scan3A_71 : i32 to vector<16xi32>
        %and3A_301 = arith.andi %get3A_288, %and3A_300 : vector<16xi32>
        %bitcast3A_302 = vector.bitcast %and3A_301 : vector<16xi32> to vector<16xf32>
        %add3A_303 = arith.addf %scan3A_271, %bitcast3A_302 : vector<16xf32>
        %mul3A_304 = arith.constant 4 : i32
        %mul3A_305 = arith.muli %scan3A_267, %mul3A_304 : i32
        %add3A_306 = arith.constant 1 : i32
        %add3A_307 = arith.addi %mul3A_305, %add3A_306 : i32
        %get3A_308 = arith.constant 0 : i32
        %get3A_309 = arith.constant 0 : i32
        %get3A_310 = tpu.memref_slice %arg6[%scan3A_191, %get3A_308, %get3A_309] : memref<4x100x32xi32, #tpu.memory_space<vmem>> -> memref<1x100x32xi32, #tpu.memory_space<vmem>>
        %get3A_311 = tpu.memref_squeeze %get3A_310 : memref<1x100x32xi32, #tpu.memory_space<vmem>> -> memref<100x32xi32, #tpu.memory_space<vmem>>
        %get3A_312 = arith.index_cast %add3A_307 : i32 to index
        %get3A_313 = arith.constant 0 : index
        %get3A_314 = tpu.vector_load %get3A_311[%get3A_312, %get3A_313] {strides = array<i32>} : memref<100x32xi32, #tpu.memory_space<vmem>>, vector<16xi32>,
        %get3A_315 = arith.constant 0 : i32
        %get3A_316 = arith.constant 0 : i32
        %get3A_317 = tpu.memref_slice %arg6[%scan3A_191, %get3A_315, %get3A_316] : memref<4x100x32xi32, #tpu.memory_space<vmem>> -> memref<1x100x32xi32, #tpu.memory_space<vmem>>
        %get3A_318 = tpu.memref_squeeze %get3A_317 : memref<1x100x32xi32, #tpu.memory_space<vmem>> -> memref<100x32xi32, #tpu.memory_space<vmem>>
        %get3A_319 = arith.index_cast %add3A_307 : i32 to index
        %get3A_320 = arith.constant 16 : index
        %get3A_321 = tpu.vector_load %get3A_318[%get3A_319, %get3A_320] {strides = array<i32>} : memref<100x32xi32, #tpu.memory_space<vmem>>, vector<16xi32>,
        %shift_left3A_322 = arith.constant 16 : i32
        %shift_left3A_323 = vector.broadcast %shift_left3A_322 : i32 to vector<16xi32>
        %shift_left3A_324 = arith.shli %get3A_314, %shift_left3A_323 : vector<16xi32>
        %bitcast3A_325 = vector.bitcast %shift_left3A_324 : vector<16xi32> to vector<16xf32>
        %add3A_326 = arith.addf %add3A_291, %bitcast3A_325 : vector<16xf32>
        %shift_left3A_327 = arith.constant 16 : i32
        %shift_left3A_328 = vector.broadcast %shift_left3A_327 : i32 to vector<16xi32>
        %shift_left3A_329 = arith.shli %get3A_321, %shift_left3A_328 : vector<16xi32>
        %bitcast3A_330 = vector.bitcast %shift_left3A_329 : vector<16xi32> to vector<16xf32>
        %add3A_331 = arith.addf %add3A_296, %bitcast3A_330 : vector<16xf32>
        %and3A_332 = vector.broadcast %scan3A_71 : i32 to vector<16xi32>
        %and3A_333 = arith.andi %get3A_314, %and3A_332 : vector<16xi32>
        %bitcast3A_334 = vector.bitcast %and3A_333 : vector<16xi32> to vector<16xf32>
        %add3A_335 = arith.addf %add3A_299, %bitcast3A_334 : vector<16xf32>
        %and3A_336 = vector.broadcast %scan3A_71 : i32 to vector<16xi32>
        %and3A_337 = arith.andi %get3A_321, %and3A_336 : vector<16xi32>
        %bitcast3A_338 = vector.bitcast %and3A_337 : vector<16xi32> to vector<16xf32>
        %add3A_339 = arith.addf %add3A_303, %bitcast3A_338 : vector<16xf32>
        %mul3A_340 = arith.constant 4 : i32
        %mul3A_341 = arith.muli %scan3A_267, %mul3A_340 : i32
        %add3A_342 = arith.constant 2 : i32
        %add3A_343 = arith.addi %mul3A_341, %add3A_342 : i32
        %get3A_344 = arith.constant 0 : i32
        %get3A_345 = arith.constant 0 : i32
        %get3A_346 = tpu.memref_slice %arg6[%scan3A_191, %get3A_344, %get3A_345] : memref<4x100x32xi32, #tpu.memory_space<vmem>> -> memref<1x100x32xi32, #tpu.memory_space<vmem>>
        %get3A_347 = tpu.memref_squeeze %get3A_346 : memref<1x100x32xi32, #tpu.memory_space<vmem>> -> memref<100x32xi32, #tpu.memory_space<vmem>>
        %get3A_348 = arith.index_cast %add3A_343 : i32 to index
        %get3A_349 = arith.constant 0 : index
        %get3A_350 = tpu.vector_load %get3A_347[%get3A_348, %get3A_349] {strides = array<i32>} : memref<100x32xi32, #tpu.memory_space<vmem>>, vector<16xi32>,
        %get3A_351 = arith.constant 0 : i32
        %get3A_352 = arith.constant 0 : i32
        %get3A_353 = tpu.memref_slice %arg6[%scan3A_191, %get3A_351, %get3A_352] : memref<4x100x32xi32, #tpu.memory_space<vmem>> -> memref<1x100x32xi32, #tpu.memory_space<vmem>>
        %get3A_354 = tpu.memref_squeeze %get3A_353 : memref<1x100x32xi32, #tpu.memory_space<vmem>> -> memref<100x32xi32, #tpu.memory_space<vmem>>
        %get3A_355 = arith.index_cast %add3A_343 : i32 to index
        %get3A_356 = arith.constant 16 : index
        %get3A_357 = tpu.vector_load %get3A_354[%get3A_355, %get3A_356] {strides = array<i32>} : memref<100x32xi32, #tpu.memory_space<vmem>>, vector<16xi32>,
        %shift_left3A_358 = arith.constant 16 : i32
        %shift_left3A_359 = vector.broadcast %shift_left3A_358 : i32 to vector<16xi32>
        %shift_left3A_360 = arith.shli %get3A_350, %shift_left3A_359 : vector<16xi32>
        %bitcast3A_361 = vector.bitcast %shift_left3A_360 : vector<16xi32> to vector<16xf32>
        %add3A_362 = arith.addf %add3A_326, %bitcast3A_361 : vector<16xf32>
        %shift_left3A_363 = arith.constant 16 : i32
        %shift_left3A_364 = vector.broadcast %shift_left3A_363 : i32 to vector<16xi32>
        %shift_left3A_365 = arith.shli %get3A_357, %shift_left3A_364 : vector<16xi32>
        %bitcast3A_366 = vector.bitcast %shift_left3A_365 : vector<16xi32> to vector<16xf32>
        %add3A_367 = arith.addf %add3A_331, %bitcast3A_366 : vector<16xf32>
        %and3A_368 = vector.broadcast %scan3A_71 : i32 to vector<16xi32>
        %and3A_369 = arith.andi %get3A_350, %and3A_368 : vector<16xi32>
        %bitcast3A_370 = vector.bitcast %and3A_369 : vector<16xi32> to vector<16xf32>
        %add3A_371 = arith.addf %add3A_335, %bitcast3A_370 : vector<16xf32>
        %and3A_372 = vector.broadcast %scan3A_71 : i32 to vector<16xi32>
        %and3A_373 = arith.andi %get3A_357, %and3A_372 : vector<16xi32>
        %bitcast3A_374 = vector.bitcast %and3A_373 : vector<16xi32> to vector<16xf32>
        %add3A_375 = arith.addf %add3A_339, %bitcast3A_374 : vector<16xf32>
        %mul3A_376 = arith.constant 4 : i32
        %mul3A_377 = arith.muli %scan3A_267, %mul3A_376 : i32
        %add3A_378 = arith.constant 3 : i32
        %add3A_379 = arith.addi %mul3A_377, %add3A_378 : i32
        %get3A_380 = arith.constant 0 : i32
        %get3A_381 = arith.constant 0 : i32
        %get3A_382 = tpu.memref_slice %arg6[%scan3A_191, %get3A_380, %get3A_381] : memref<4x100x32xi32, #tpu.memory_space<vmem>> -> memref<1x100x32xi32, #tpu.memory_space<vmem>>
        %get3A_383 = tpu.memref_squeeze %get3A_382 : memref<1x100x32xi32, #tpu.memory_space<vmem>> -> memref<100x32xi32, #tpu.memory_space<vmem>>
        %get3A_384 = arith.index_cast %add3A_379 : i32 to index
        %get3A_385 = arith.constant 0 : index
        %get3A_386 = tpu.vector_load %get3A_383[%get3A_384, %get3A_385] {strides = array<i32>} : memref<100x32xi32, #tpu.memory_space<vmem>>, vector<16xi32>,
        %get3A_387 = arith.constant 0 : i32
        %get3A_388 = arith.constant 0 : i32
        %get3A_389 = tpu.memref_slice %arg6[%scan3A_191, %get3A_387, %get3A_388] : memref<4x100x32xi32, #tpu.memory_space<vmem>> -> memref<1x100x32xi32, #tpu.memory_space<vmem>>
        %get3A_390 = tpu.memref_squeeze %get3A_389 : memref<1x100x32xi32, #tpu.memory_space<vmem>> -> memref<100x32xi32, #tpu.memory_space<vmem>>
        %get3A_391 = arith.index_cast %add3A_379 : i32 to index
        %get3A_392 = arith.constant 16 : index
        %get3A_393 = tpu.vector_load %get3A_390[%get3A_391, %get3A_392] {strides = array<i32>} : memref<100x32xi32, #tpu.memory_space<vmem>>, vector<16xi32>,
        %shift_left3A_394 = arith.constant 16 : i32
        %shift_left3A_395 = vector.broadcast %shift_left3A_394 : i32 to vector<16xi32>
        %shift_left3A_396 = arith.shli %get3A_386, %shift_left3A_395 : vector<16xi32>
        %bitcast3A_397 = vector.bitcast %shift_left3A_396 : vector<16xi32> to vector<16xf32>
        %add3A_398 = arith.addf %add3A_362, %bitcast3A_397 : vector<16xf32>
        %shift_left3A_399 = arith.constant 16 : i32
        %shift_left3A_400 = vector.broadcast %shift_left3A_399 : i32 to vector<16xi32>
        %shift_left3A_401 = arith.shli %get3A_393, %shift_left3A_400 : vector<16xi32>
        %bitcast3A_402 = vector.bitcast %shift_left3A_401 : vector<16xi32> to vector<16xf32>
        %add3A_403 = arith.addf %add3A_367, %bitcast3A_402 : vector<16xf32>
        %and3A_404 = vector.broadcast %scan3A_71 : i32 to vector<16xi32>
        %and3A_405 = arith.andi %get3A_386, %and3A_404 : vector<16xi32>
        %bitcast3A_406 = vector.bitcast %and3A_405 : vector<16xi32> to vector<16xf32>
        %add3A_407 = arith.addf %add3A_371, %bitcast3A_406 : vector<16xf32>
        %and3A_408 = vector.broadcast %scan3A_71 : i32 to vector<16xi32>
        %and3A_409 = arith.andi %get3A_393, %and3A_408 : vector<16xi32>
        %bitcast3A_410 = vector.bitcast %and3A_409 : vector<16xi32> to vector<16xf32>
        %add3A_411 = arith.addf %add3A_375, %bitcast3A_410 : vector<16xf32>
        scf.yield %add3A_398, %add3A_403, %add3A_407, %add3A_411 : vector<16xf32>, vector<16xf32>, vector<16xf32>, vector<16xf32>
      }
      %scan3A_197 = arith.constant 25 : i32
      %add3A_198 = arith.constant 4 : i32
      %add3A_199 = arith.addi %add3A_176, %add3A_198 : i32
      %lt3A_200 = arith.constant 256 : i32
      %lt3A_201 = arith.cmpi slt, %add3A_199, %lt3A_200 : i32
      %convert_element_type3A_202 = arith.extui %lt3A_201 : i1 to i32
      %cond3A_203 = arith.constant 0 : i32
      %cond3A_204 = arith.cmpi ne, %convert_element_type3A_202, %cond3A_203 : i32
      scf.if %cond3A_204 {
        %dma_start3A_267 = arith.constant 2 : i32
        %dma_start3A_268 = arith.constant 2 : i32
        %dma_start3A_269 = arith.constant 0 : i32
        %dma_start3A_270 = arith.constant 0 : i32
        %dma_start3A_271 = tpu.memref_slice %arg6[%dma_start3A_267, %dma_start3A_269, %dma_start3A_270] : memref<4x100x32xi32, #tpu.memory_space<vmem>> -> memref<1x100x32xi32, #tpu.memory_space<vmem>>
        %dma_start3A_272 = tpu.memref_squeeze %dma_start3A_271 : memref<1x100x32xi32, #tpu.memory_space<vmem>> -> memref<100x32xi32, #tpu.memory_space<vmem>>
        %dma_start3A_273 = arith.constant 0 : i32
        %dma_start3A_274 = tpu.memref_slice %arg5[%add3A_199, %dma_start3A_273] : memref<256x100xi32, #tpu.memory_space<vmem>> -> memref<1x100xi32, #tpu.memory_space<vmem>>
        %dma_start3A_275 = tpu.memref_squeeze %dma_start3A_274 : memref<1x100xi32, #tpu.memory_space<vmem>> -> memref<100xi32, #tpu.memory_space<vmem>>
        %dma_start3A_276 = arith.constant 0 : i32
        %dma_start3A_277 = arith.constant 0 : i32
        %dma_start3A_278 = tpu.memref_slice %arg2[%dma_start3A_276, %dma_start3A_277] : memref<1015808x32xi32, #tpu.memory_space<hbm>> -> memref<1015808x32xi32, #tpu.memory_space<hbm>>
        %dma_start3A_279 = tpu.memref_slice %arg8[%dma_start3A_268] : memref<4x!tpu.dma_semaphore, #tpu.memory_space<semaphore_mem>> -> memref<1x!tpu.dma_semaphore, #tpu.memory_space<semaphore_mem>>
        %dma_start3A_280 = tpu.memref_squeeze %dma_start3A_279 : memref<1x!tpu.dma_semaphore, #tpu.memory_space<semaphore_mem>> -> memref<!tpu.dma_semaphore, #tpu.memory_space<semaphore_mem>>
        tpu.enqueue_indirect_dma source(%dma_start3A_278 : memref<1015808x32xi32, #tpu.memory_space<hbm>>) target(%dma_start3A_272 : memref<100x32xi32, #tpu.memory_space<vmem>>) offsets(%dma_start3A_275 : memref<100xi32, #tpu.memory_space<vmem>>) semaphore(%dma_start3A_280 : memref<!tpu.dma_semaphore, #tpu.memory_space<semaphore_mem>>)
      } else {
      }
      %add3A_205 = arith.constant 3 : i32
      %add3A_206 = arith.addi %mul3A_80, %add3A_205 : i32
      %dma_wait3A_207 = arith.constant 3 : i32
      %dma_wait3A_208 = arith.constant 3 : i32
      %dma_wait3A_209 = arith.constant 0 : i32
      %dma_wait3A_210 = arith.constant 0 : i32
      %dma_wait3A_211 = tpu.memref_slice %arg6[%dma_wait3A_207, %dma_wait3A_209, %dma_wait3A_210] : memref<4x100x32xi32, #tpu.memory_space<vmem>> -> memref<1x100x32xi32, #tpu.memory_space<vmem>>
      %dma_wait3A_212 = tpu.memref_squeeze %dma_wait3A_211 : memref<1x100x32xi32, #tpu.memory_space<vmem>> -> memref<100x32xi32, #tpu.memory_space<vmem>>
      %dma_wait3A_213 = arith.constant 0 : i32
      %dma_wait3A_214 = tpu.memref_slice %arg5[%mul3A_80, %dma_wait3A_213] : memref<256x100xi32, #tpu.memory_space<vmem>> -> memref<1x100xi32, #tpu.memory_space<vmem>>
      %dma_wait3A_215 = tpu.memref_squeeze %dma_wait3A_214 : memref<1x100xi32, #tpu.memory_space<vmem>> -> memref<100xi32, #tpu.memory_space<vmem>>
      %dma_wait3A_216 = arith.constant 0 : i32
      %dma_wait3A_217 = arith.constant 0 : i32
      %dma_wait3A_218 = tpu.memref_slice %arg2[%dma_wait3A_216, %dma_wait3A_217] : memref<1015808x32xi32, #tpu.memory_space<hbm>> -> memref<1015808x32xi32, #tpu.memory_space<hbm>>
      %dma_wait3A_219 = tpu.memref_slice %arg8[%dma_wait3A_208] : memref<4x!tpu.dma_semaphore, #tpu.memory_space<semaphore_mem>> -> memref<1x!tpu.dma_semaphore, #tpu.memory_space<semaphore_mem>>
      %dma_wait3A_220 = tpu.memref_squeeze %dma_wait3A_219 : memref<1x!tpu.dma_semaphore, #tpu.memory_space<semaphore_mem>> -> memref<!tpu.dma_semaphore, #tpu.memory_space<semaphore_mem>>
      tpu.wait_indirect_dma semaphore(%dma_wait3A_220 : memref<!tpu.dma_semaphore, #tpu.memory_space<semaphore_mem>>) src(%dma_wait3A_218 : memref<1015808x32xi32, #tpu.memory_space<hbm>>) dst(%dma_wait3A_212 : memref<100x32xi32, #tpu.memory_space<vmem>>)
      %scan3A_221 = arith.constant 3 : i32
      %scan3A_222 = arith.constant 0 : i32
      %scan3A_223 = arith.constant 25 : i32
      %scan3A_224 = arith.addi %scan3A_222, %scan3A_223 : i32
      %scan3A_225 = arith.constant 1 : i32
      %scan3A_226:4 = scf.for %scan3A_267 = %scan3A_222 to %scan3A_224 step %scan3A_225 iter_args(%scan3A_268 = %scan3A_196#0, %scan3A_269 = %scan3A_196#1, %scan3A_270 = %scan3A_196#2, %scan3A_271 = %scan3A_196#3) -> (vector<16xf32>, vector<16xf32>, vector<16xf32>, vector<16xf32>)  : i32 {
        %mul3A_272 = arith.constant 4 : i32
        %mul3A_273 = arith.muli %scan3A_267, %mul3A_272 : i32
        %add3A_274 = arith.constant 0 : i32
        %add3A_275 = arith.addi %mul3A_273, %add3A_274 : i32
        %get3A = arith.constant 0 : i32
        %get3A_276 = arith.constant 0 : i32
        %get3A_277 = tpu.memref_slice %arg6[%scan3A_221, %get3A, %get3A_276] : memref<4x100x32xi32, #tpu.memory_space<vmem>> -> memref<1x100x32xi32, #tpu.memory_space<vmem>>
        %get3A_278 = tpu.memref_squeeze %get3A_277 : memref<1x100x32xi32, #tpu.memory_space<vmem>> -> memref<100x32xi32, #tpu.memory_space<vmem>>
        %get3A_279 = arith.index_cast %add3A_275 : i32 to index
        %get3A_280 = arith.constant 0 : index
        %get3A_281 = tpu.vector_load %get3A_278[%get3A_279, %get3A_280] {strides = array<i32>} : memref<100x32xi32, #tpu.memory_space<vmem>>, vector<16xi32>,
        %get3A_282 = arith.constant 0 : i32
        %get3A_283 = arith.constant 0 : i32
        %get3A_284 = tpu.memref_slice %arg6[%scan3A_221, %get3A_282, %get3A_283] : memref<4x100x32xi32, #tpu.memory_space<vmem>> -> memref<1x100x32xi32, #tpu.memory_space<vmem>>
        %get3A_285 = tpu.memref_squeeze %get3A_284 : memref<1x100x32xi32, #tpu.memory_space<vmem>> -> memref<100x32xi32, #tpu.memory_space<vmem>>
        %get3A_286 = arith.index_cast %add3A_275 : i32 to index
        %get3A_287 = arith.constant 16 : index
        %get3A_288 = tpu.vector_load %get3A_285[%get3A_286, %get3A_287] {strides = array<i32>} : memref<100x32xi32, #tpu.memory_space<vmem>>, vector<16xi32>,
        %shift_left3A = arith.constant 16 : i32
        %shift_left3A_289 = vector.broadcast %shift_left3A : i32 to vector<16xi32>
        %shift_left3A_290 = arith.shli %get3A_281, %shift_left3A_289 : vector<16xi32>
        %bitcast3A = vector.bitcast %shift_left3A_290 : vector<16xi32> to vector<16xf32>
        %add3A_291 = arith.addf %scan3A_268, %bitcast3A : vector<16xf32>
        %shift_left3A_292 = arith.constant 16 : i32
        %shift_left3A_293 = vector.broadcast %shift_left3A_292 : i32 to vector<16xi32>
        %shift_left3A_294 = arith.shli %get3A_288, %shift_left3A_293 : vector<16xi32>
        %bitcast3A_295 = vector.bitcast %shift_left3A_294 : vector<16xi32> to vector<16xf32>
        %add3A_296 = arith.addf %scan3A_269, %bitcast3A_295 : vector<16xf32>
        %and3A = vector.broadcast %scan3A_71 : i32 to vector<16xi32>
        %and3A_297 = arith.andi %get3A_281, %and3A : vector<16xi32>
        %bitcast3A_298 = vector.bitcast %and3A_297 : vector<16xi32> to vector<16xf32>
        %add3A_299 = arith.addf %scan3A_270, %bitcast3A_298 : vector<16xf32>
        %and3A_300 = vector.broadcast %scan3A_71 : i32 to vector<16xi32>
        %and3A_301 = arith.andi %get3A_288, %and3A_300 : vector<16xi32>
        %bitcast3A_302 = vector.bitcast %and3A_301 : vector<16xi32> to vector<16xf32>
        %add3A_303 = arith.addf %scan3A_271, %bitcast3A_302 : vector<16xf32>
        %mul3A_304 = arith.constant 4 : i32
        %mul3A_305 = arith.muli %scan3A_267, %mul3A_304 : i32
        %add3A_306 = arith.constant 1 : i32
        %add3A_307 = arith.addi %mul3A_305, %add3A_306 : i32
        %get3A_308 = arith.constant 0 : i32
        %get3A_309 = arith.constant 0 : i32
        %get3A_310 = tpu.memref_slice %arg6[%scan3A_221, %get3A_308, %get3A_309] : memref<4x100x32xi32, #tpu.memory_space<vmem>> -> memref<1x100x32xi32, #tpu.memory_space<vmem>>
        %get3A_311 = tpu.memref_squeeze %get3A_310 : memref<1x100x32xi32, #tpu.memory_space<vmem>> -> memref<100x32xi32, #tpu.memory_space<vmem>>
        %get3A_312 = arith.index_cast %add3A_307 : i32 to index
        %get3A_313 = arith.constant 0 : index
        %get3A_314 = tpu.vector_load %get3A_311[%get3A_312, %get3A_313] {strides = array<i32>} : memref<100x32xi32, #tpu.memory_space<vmem>>, vector<16xi32>,
        %get3A_315 = arith.constant 0 : i32
        %get3A_316 = arith.constant 0 : i32
        %get3A_317 = tpu.memref_slice %arg6[%scan3A_221, %get3A_315, %get3A_316] : memref<4x100x32xi32, #tpu.memory_space<vmem>> -> memref<1x100x32xi32, #tpu.memory_space<vmem>>
        %get3A_318 = tpu.memref_squeeze %get3A_317 : memref<1x100x32xi32, #tpu.memory_space<vmem>> -> memref<100x32xi32, #tpu.memory_space<vmem>>
        %get3A_319 = arith.index_cast %add3A_307 : i32 to index
        %get3A_320 = arith.constant 16 : index
        %get3A_321 = tpu.vector_load %get3A_318[%get3A_319, %get3A_320] {strides = array<i32>} : memref<100x32xi32, #tpu.memory_space<vmem>>, vector<16xi32>,
        %shift_left3A_322 = arith.constant 16 : i32
        %shift_left3A_323 = vector.broadcast %shift_left3A_322 : i32 to vector<16xi32>
        %shift_left3A_324 = arith.shli %get3A_314, %shift_left3A_323 : vector<16xi32>
        %bitcast3A_325 = vector.bitcast %shift_left3A_324 : vector<16xi32> to vector<16xf32>
        %add3A_326 = arith.addf %add3A_291, %bitcast3A_325 : vector<16xf32>
        %shift_left3A_327 = arith.constant 16 : i32
        %shift_left3A_328 = vector.broadcast %shift_left3A_327 : i32 to vector<16xi32>
        %shift_left3A_329 = arith.shli %get3A_321, %shift_left3A_328 : vector<16xi32>
        %bitcast3A_330 = vector.bitcast %shift_left3A_329 : vector<16xi32> to vector<16xf32>
        %add3A_331 = arith.addf %add3A_296, %bitcast3A_330 : vector<16xf32>
        %and3A_332 = vector.broadcast %scan3A_71 : i32 to vector<16xi32>
        %and3A_333 = arith.andi %get3A_314, %and3A_332 : vector<16xi32>
        %bitcast3A_334 = vector.bitcast %and3A_333 : vector<16xi32> to vector<16xf32>
        %add3A_335 = arith.addf %add3A_299, %bitcast3A_334 : vector<16xf32>
        %and3A_336 = vector.broadcast %scan3A_71 : i32 to vector<16xi32>
        %and3A_337 = arith.andi %get3A_321, %and3A_336 : vector<16xi32>
        %bitcast3A_338 = vector.bitcast %and3A_337 : vector<16xi32> to vector<16xf32>
        %add3A_339 = arith.addf %add3A_303, %bitcast3A_338 : vector<16xf32>
        %mul3A_340 = arith.constant 4 : i32
        %mul3A_341 = arith.muli %scan3A_267, %mul3A_340 : i32
        %add3A_342 = arith.constant 2 : i32
        %add3A_343 = arith.addi %mul3A_341, %add3A_342 : i32
        %get3A_344 = arith.constant 0 : i32
        %get3A_345 = arith.constant 0 : i32
        %get3A_346 = tpu.memref_slice %arg6[%scan3A_221, %get3A_344, %get3A_345] : memref<4x100x32xi32, #tpu.memory_space<vmem>> -> memref<1x100x32xi32, #tpu.memory_space<vmem>>
        %get3A_347 = tpu.memref_squeeze %get3A_346 : memref<1x100x32xi32, #tpu.memory_space<vmem>> -> memref<100x32xi32, #tpu.memory_space<vmem>>
        %get3A_348 = arith.index_cast %add3A_343 : i32 to index
        %get3A_349 = arith.constant 0 : index
        %get3A_350 = tpu.vector_load %get3A_347[%get3A_348, %get3A_349] {strides = array<i32>} : memref<100x32xi32, #tpu.memory_space<vmem>>, vector<16xi32>,
        %get3A_351 = arith.constant 0 : i32
        %get3A_352 = arith.constant 0 : i32
        %get3A_353 = tpu.memref_slice %arg6[%scan3A_221, %get3A_351, %get3A_352] : memref<4x100x32xi32, #tpu.memory_space<vmem>> -> memref<1x100x32xi32, #tpu.memory_space<vmem>>
        %get3A_354 = tpu.memref_squeeze %get3A_353 : memref<1x100x32xi32, #tpu.memory_space<vmem>> -> memref<100x32xi32, #tpu.memory_space<vmem>>
        %get3A_355 = arith.index_cast %add3A_343 : i32 to index
        %get3A_356 = arith.constant 16 : index
        %get3A_357 = tpu.vector_load %get3A_354[%get3A_355, %get3A_356] {strides = array<i32>} : memref<100x32xi32, #tpu.memory_space<vmem>>, vector<16xi32>,
        %shift_left3A_358 = arith.constant 16 : i32
        %shift_left3A_359 = vector.broadcast %shift_left3A_358 : i32 to vector<16xi32>
        %shift_left3A_360 = arith.shli %get3A_350, %shift_left3A_359 : vector<16xi32>
        %bitcast3A_361 = vector.bitcast %shift_left3A_360 : vector<16xi32> to vector<16xf32>
        %add3A_362 = arith.addf %add3A_326, %bitcast3A_361 : vector<16xf32>
        %shift_left3A_363 = arith.constant 16 : i32
        %shift_left3A_364 = vector.broadcast %shift_left3A_363 : i32 to vector<16xi32>
        %shift_left3A_365 = arith.shli %get3A_357, %shift_left3A_364 : vector<16xi32>
        %bitcast3A_366 = vector.bitcast %shift_left3A_365 : vector<16xi32> to vector<16xf32>
        %add3A_367 = arith.addf %add3A_331, %bitcast3A_366 : vector<16xf32>
        %and3A_368 = vector.broadcast %scan3A_71 : i32 to vector<16xi32>
        %and3A_369 = arith.andi %get3A_350, %and3A_368 : vector<16xi32>
        %bitcast3A_370 = vector.bitcast %and3A_369 : vector<16xi32> to vector<16xf32>
        %add3A_371 = arith.addf %add3A_335, %bitcast3A_370 : vector<16xf32>
        %and3A_372 = vector.broadcast %scan3A_71 : i32 to vector<16xi32>
        %and3A_373 = arith.andi %get3A_357, %and3A_372 : vector<16xi32>
        %bitcast3A_374 = vector.bitcast %and3A_373 : vector<16xi32> to vector<16xf32>
        %add3A_375 = arith.addf %add3A_339, %bitcast3A_374 : vector<16xf32>
        %mul3A_376 = arith.constant 4 : i32
        %mul3A_377 = arith.muli %scan3A_267, %mul3A_376 : i32
        %add3A_378 = arith.constant 3 : i32
        %add3A_379 = arith.addi %mul3A_377, %add3A_378 : i32
        %get3A_380 = arith.constant 0 : i32
        %get3A_381 = arith.constant 0 : i32
        %get3A_382 = tpu.memref_slice %arg6[%scan3A_221, %get3A_380, %get3A_381] : memref<4x100x32xi32, #tpu.memory_space<vmem>> -> memref<1x100x32xi32, #tpu.memory_space<vmem>>
        %get3A_383 = tpu.memref_squeeze %get3A_382 : memref<1x100x32xi32, #tpu.memory_space<vmem>> -> memref<100x32xi32, #tpu.memory_space<vmem>>
        %get3A_384 = arith.index_cast %add3A_379 : i32 to index
        %get3A_385 = arith.constant 0 : index
        %get3A_386 = tpu.vector_load %get3A_383[%get3A_384, %get3A_385] {strides = array<i32>} : memref<100x32xi32, #tpu.memory_space<vmem>>, vector<16xi32>,
        %get3A_387 = arith.constant 0 : i32
        %get3A_388 = arith.constant 0 : i32
        %get3A_389 = tpu.memref_slice %arg6[%scan3A_221, %get3A_387, %get3A_388] : memref<4x100x32xi32, #tpu.memory_space<vmem>> -> memref<1x100x32xi32, #tpu.memory_space<vmem>>
        %get3A_390 = tpu.memref_squeeze %get3A_389 : memref<1x100x32xi32, #tpu.memory_space<vmem>> -> memref<100x32xi32, #tpu.memory_space<vmem>>
        %get3A_391 = arith.index_cast %add3A_379 : i32 to index
        %get3A_392 = arith.constant 16 : index
        %get3A_393 = tpu.vector_load %get3A_390[%get3A_391, %get3A_392] {strides = array<i32>} : memref<100x32xi32, #tpu.memory_space<vmem>>, vector<16xi32>,
        %shift_left3A_394 = arith.constant 16 : i32
        %shift_left3A_395 = vector.broadcast %shift_left3A_394 : i32 to vector<16xi32>
        %shift_left3A_396 = arith.shli %get3A_386, %shift_left3A_395 : vector<16xi32>
        %bitcast3A_397 = vector.bitcast %shift_left3A_396 : vector<16xi32> to vector<16xf32>
        %add3A_398 = arith.addf %add3A_362, %bitcast3A_397 : vector<16xf32>
        %shift_left3A_399 = arith.constant 16 : i32
        %shift_left3A_400 = vector.broadcast %shift_left3A_399 : i32 to vector<16xi32>
        %shift_left3A_401 = arith.shli %get3A_393, %shift_left3A_400 : vector<16xi32>
        %bitcast3A_402 = vector.bitcast %shift_left3A_401 : vector<16xi32> to vector<16xf32>
        %add3A_403 = arith.addf %add3A_367, %bitcast3A_402 : vector<16xf32>
        %and3A_404 = vector.broadcast %scan3A_71 : i32 to vector<16xi32>
        %and3A_405 = arith.andi %get3A_386, %and3A_404 : vector<16xi32>
        %bitcast3A_406 = vector.bitcast %and3A_405 : vector<16xi32> to vector<16xf32>
        %add3A_407 = arith.addf %add3A_371, %bitcast3A_406 : vector<16xf32>
        %and3A_408 = vector.broadcast %scan3A_71 : i32 to vector<16xi32>
        %and3A_409 = arith.andi %get3A_393, %and3A_408 : vector<16xi32>
        %bitcast3A_410 = vector.bitcast %and3A_409 : vector<16xi32> to vector<16xf32>
        %add3A_411 = arith.addf %add3A_375, %bitcast3A_410 : vector<16xf32>
        scf.yield %add3A_398, %add3A_403, %add3A_407, %add3A_411 : vector<16xf32>, vector<16xf32>, vector<16xf32>, vector<16xf32>
      }
      %scan3A_227 = arith.constant 25 : i32
      %mul3A_228 = arith.constant 2 : i32
      %mul3A_229 = arith.muli %scan3A_78, %mul3A_228 : i32
      %add3A_230 = arith.constant 1 : i32
      %add3A_231 = arith.addi %mul3A_229, %add3A_230 : i32
      %mul3A_232 = vector.broadcast %scan3A_72 : f32 to vector<16xf32>
      %mul3A_233 = arith.mulf %scan3A_226#0, %mul3A_232 : vector<16xf32>
      %swap3A_234 = arith.index_cast %add3A_231 : i32 to index
      %swap3A_235 = arith.constant 0 : index
      %swap3A_236 = tpu.vector_load %arg7[%swap3A_234, %swap3A_235] {strides = array<i32>} : memref<128x64xf32, #tpu.memory_space<vmem>>, vector<16xf32>,
      tpu.vector_store %arg7[%swap3A_234, %swap3A_235], %mul3A_233 {strides = array<i32>} : memref<128x64xf32, #tpu.memory_space<vmem>>, vector<16xf32>,
      %mul3A_237 = vector.broadcast %scan3A_72 : f32 to vector<16xf32>
      %mul3A_238 = arith.mulf %scan3A_226#1, %mul3A_237 : vector<16xf32>
      %swap3A_239 = arith.index_cast %add3A_231 : i32 to index
      %swap3A_240 = arith.constant 16 : index
      %swap3A_241 = tpu.vector_load %arg7[%swap3A_239, %swap3A_240] {strides = array<i32>} : memref<128x64xf32, #tpu.memory_space<vmem>>, vector<16xf32>,
      tpu.vector_store %arg7[%swap3A_239, %swap3A_240], %mul3A_238 {strides = array<i32>} : memref<128x64xf32, #tpu.memory_space<vmem>>, vector<16xf32>,
      %mul3A_242 = vector.broadcast %scan3A_72 : f32 to vector<16xf32>
      %mul3A_243 = arith.mulf %scan3A_226#2, %mul3A_242 : vector<16xf32>
      %swap3A_244 = arith.index_cast %add3A_231 : i32 to index
      %swap3A_245 = arith.constant 32 : index
      %swap3A_246 = tpu.vector_load %arg7[%swap3A_244, %swap3A_245] {strides = array<i32>} : memref<128x64xf32, #tpu.memory_space<vmem>>, vector<16xf32>,
      tpu.vector_store %arg7[%swap3A_244, %swap3A_245], %mul3A_243 {strides = array<i32>} : memref<128x64xf32, #tpu.memory_space<vmem>>, vector<16xf32>,
      %mul3A_247 = vector.broadcast %scan3A_72 : f32 to vector<16xf32>
      %mul3A_248 = arith.mulf %scan3A_226#3, %mul3A_247 : vector<16xf32>
      %swap3A_249 = arith.index_cast %add3A_231 : i32 to index
      %swap3A_250 = arith.constant 48 : index
      %swap3A_251 = tpu.vector_load %arg7[%swap3A_249, %swap3A_250] {strides = array<i32>} : memref<128x64xf32, #tpu.memory_space<vmem>>, vector<16xf32>,
      tpu.vector_store %arg7[%swap3A_249, %swap3A_250], %mul3A_248 {strides = array<i32>} : memref<128x64xf32, #tpu.memory_space<vmem>>, vector<16xf32>,
      %broadcast_in_dim3A_252 = arith.constant 0.000000e+00 : f32
      %broadcast_in_dim3A_253 = vector.broadcast %broadcast_in_dim3A_252 : f32 to vector<16xf32>
      %broadcast_in_dim3A_254 = arith.constant 0.000000e+00 : f32
      %broadcast_in_dim3A_255 = vector.broadcast %broadcast_in_dim3A_254 : f32 to vector<16xf32>
      %broadcast_in_dim3A_256 = arith.constant 0.000000e+00 : f32
      %broadcast_in_dim3A_257 = vector.broadcast %broadcast_in_dim3A_256 : f32 to vector<16xf32>
      %broadcast_in_dim3A_258 = arith.constant 0.000000e+00 : f32
      %broadcast_in_dim3A_259 = vector.broadcast %broadcast_in_dim3A_258 : f32 to vector<16xf32>
      %add3A_260 = arith.constant 4 : i32
      %add3A_261 = arith.addi %add3A_206, %add3A_260 : i32
      %lt3A_262 = arith.constant 256 : i32
      %lt3A_263 = arith.cmpi slt, %add3A_261, %lt3A_262 : i32
      %convert_element_type3A_264 = arith.extui %lt3A_263 : i1 to i32
      %cond3A_265 = arith.constant 0 : i32
      %cond3A_266 = arith.cmpi ne, %convert_element_type3A_264, %cond3A_265 : i32
      scf.if %cond3A_266 {
        %dma_start3A_267 = arith.constant 3 : i32
        %dma_start3A_268 = arith.constant 3 : i32
        %dma_start3A_269 = arith.constant 0 : i32
        %dma_start3A_270 = arith.constant 0 : i32
        %dma_start3A_271 = tpu.memref_slice %arg6[%dma_start3A_267, %dma_start3A_269, %dma_start3A_270] : memref<4x100x32xi32, #tpu.memory_space<vmem>> -> memref<1x100x32xi32, #tpu.memory_space<vmem>>
        %dma_start3A_272 = tpu.memref_squeeze %dma_start3A_271 : memref<1x100x32xi32, #tpu.memory_space<vmem>> -> memref<100x32xi32, #tpu.memory_space<vmem>>
        %dma_start3A_273 = arith.constant 0 : i32
        %dma_start3A_274 = tpu.memref_slice %arg5[%add3A_261, %dma_start3A_273] : memref<256x100xi32, #tpu.memory_space<vmem>> -> memref<1x100xi32, #tpu.memory_space<vmem>>
        %dma_start3A_275 = tpu.memref_squeeze %dma_start3A_274 : memref<1x100xi32, #tpu.memory_space<vmem>> -> memref<100xi32, #tpu.memory_space<vmem>>
        %dma_start3A_276 = arith.constant 0 : i32
        %dma_start3A_277 = arith.constant 0 : i32
        %dma_start3A_278 = tpu.memref_slice %arg2[%dma_start3A_276, %dma_start3A_277] : memref<1015808x32xi32, #tpu.memory_space<hbm>> -> memref<1015808x32xi32, #tpu.memory_space<hbm>>
        %dma_start3A_279 = tpu.memref_slice %arg8[%dma_start3A_268] : memref<4x!tpu.dma_semaphore, #tpu.memory_space<semaphore_mem>> -> memref<1x!tpu.dma_semaphore, #tpu.memory_space<semaphore_mem>>
        %dma_start3A_280 = tpu.memref_squeeze %dma_start3A_279 : memref<1x!tpu.dma_semaphore, #tpu.memory_space<semaphore_mem>> -> memref<!tpu.dma_semaphore, #tpu.memory_space<semaphore_mem>>
        tpu.enqueue_indirect_dma source(%dma_start3A_278 : memref<1015808x32xi32, #tpu.memory_space<hbm>>) target(%dma_start3A_272 : memref<100x32xi32, #tpu.memory_space<vmem>>) offsets(%dma_start3A_275 : memref<100xi32, #tpu.memory_space<vmem>>) semaphore(%dma_start3A_280 : memref<!tpu.dma_semaphore, #tpu.memory_space<semaphore_mem>>)
      } else {
      }
    }
    %scan3A_77 = arith.constant 64 : i32
    "tpu.region"() ({
      %run_scoped3A = tpu.sem_alloc : memref<!tpu.dma_semaphore, #tpu.memory_space<semaphore_mem>>
      %dma_start3A_78 = arith.constant 0 : i32
      %dma_start3A_79 = tpu.memref_slice %arg4[%mul3A_4, %dma_start3A_78] : memref<4096x64xf32, #tpu.memory_space<hbm>> -> memref<128x64xf32, #tpu.memory_space<hbm>>
      %dma_start3A_80 = arith.constant 0 : i32
      %dma_start3A_81 = tpu.memref_slice %arg4[%mul3A_4, %dma_start3A_80] : memref<4096x64xf32, #tpu.memory_space<hbm>> -> memref<128x64xf32, #tpu.memory_space<hbm>>
      tpu.enqueue_dma source(%arg7 : memref<128x64xf32, #tpu.memory_space<vmem>>) target(%dma_start3A_81 : memref<128x64xf32, #tpu.memory_space<hbm>>) target_semaphore(%run_scoped3A : memref<!tpu.dma_semaphore, #tpu.memory_space<semaphore_mem>>)
      %dma_wait3A = arith.constant 0 : i32
      %dma_wait3A_82 = tpu.memref_slice %arg4[%mul3A_4, %dma_wait3A] : memref<4096x64xf32, #tpu.memory_space<hbm>> -> memref<128x64xf32, #tpu.memory_space<hbm>>
      %dma_wait3A_83 = arith.constant 0 : i32
      %dma_wait3A_84 = tpu.memref_slice %arg4[%mul3A_4, %dma_wait3A_83] : memref<4096x64xf32, #tpu.memory_space<hbm>> -> memref<128x64xf32, #tpu.memory_space<hbm>>
      tpu.wait_dma2 semaphore(%run_scoped3A : memref<!tpu.dma_semaphore, #tpu.memory_space<semaphore_mem>>) src(%arg7 : memref<128x64xf32, #tpu.memory_space<vmem>>) dst(%dma_wait3A_84 : memref<128x64xf32, #tpu.memory_space<hbm>>)
      tpu.yield
    }) : () -> ()
    return
  }
}

module attributes {stable_mosaic.version = 14 : i64} {
  func.func @_relayout_body(%arg0: i32, %arg1: memref<64x16384xf32, #tpu.memory_space<vmem>>, %arg2: memref<4096x128xi32, #tpu.memory_space<vmem>>) attributes {dimension_semantics = [#tpu.dimension_semantics<arbitrary>], iteration_bounds = array<i64: 62>, scalar_prefetch = 0 : i64, scratch_operands = 0 : i64, tpu.core_type = #tpu.core_type<tc>, window_params = [{transform_indices = @transform_0, window_bounds = array<i64: 64, 16384>}, {transform_indices = @transform_1, window_bounds = array<i64: 4096, 128>}]} {
    %get3A = arith.constant 0 : index
    %get3A_0 = arith.constant 0 : index
    %get3A_1 = vector.load %arg1[%get3A, %get3A_0] : memref<64x16384xf32, #tpu.memory_space<vmem>>, vector<64x16384xf32>
    %slice3A = vector.extract_strided_slice %get3A_1 {offsets = [0, 0], sizes = [64, 4096], strides = [1, 1]} : vector<64x16384xf32> to vector<64x4096xf32>
    %transpose3A = tpu.transpose %slice3A, [1, 0] : vector<64x4096xf32> -> vector<4096x64xf32>
    %slice3A_2 = vector.extract_strided_slice %transpose3A {offsets = [0, 0], sizes = [4096, 32], strides = [1, 1]} : vector<4096x64xf32> to vector<4096x32xf32>
    %convert_element_type3A = arith.truncf %slice3A_2 : vector<4096x32xf32> to vector<4096x32xbf16>
    %slice3A_3 = vector.extract_strided_slice %transpose3A {offsets = [0, 32], sizes = [4096, 32], strides = [1, 1]} : vector<4096x64xf32> to vector<4096x32xf32>
    %convert_element_type3A_4 = arith.truncf %slice3A_3 : vector<4096x32xf32> to vector<4096x32xbf16>
    %bitcast_convert_type3A = tpu.bitcast %convert_element_type3A : vector<4096x32xbf16> -> vector<4096x32xi16>
    %convert_element_type3A_5 = arith.extui %bitcast_convert_type3A : vector<4096x32xi16> to vector<4096x32xi32>
    %bitcast_convert_type3A_6 = tpu.bitcast %convert_element_type3A_4 : vector<4096x32xbf16> -> vector<4096x32xi16>
    %convert_element_type3A_7 = arith.extui %bitcast_convert_type3A_6 : vector<4096x32xi16> to vector<4096x32xi32>
    %shift_left3A = arith.constant 16 : i32
    %shift_left3A_8 = vector.broadcast %shift_left3A : i32 to vector<4096x32xi32>
    %shift_left3A_9 = arith.shli %convert_element_type3A_7, %shift_left3A_8 : vector<4096x32xi32>
    %or3A = arith.ori %shift_left3A_9, %convert_element_type3A_5 : vector<4096x32xi32>
    %slice3A_10 = vector.extract_strided_slice %get3A_1 {offsets = [0, 4096], sizes = [64, 4096], strides = [1, 1]} : vector<64x16384xf32> to vector<64x4096xf32>
    %transpose3A_11 = tpu.transpose %slice3A_10, [1, 0] : vector<64x4096xf32> -> vector<4096x64xf32>
    %slice3A_12 = vector.extract_strided_slice %transpose3A_11 {offsets = [0, 0], sizes = [4096, 32], strides = [1, 1]} : vector<4096x64xf32> to vector<4096x32xf32>
    %convert_element_type3A_13 = arith.truncf %slice3A_12 : vector<4096x32xf32> to vector<4096x32xbf16>
    %slice3A_14 = vector.extract_strided_slice %transpose3A_11 {offsets = [0, 32], sizes = [4096, 32], strides = [1, 1]} : vector<4096x64xf32> to vector<4096x32xf32>
    %convert_element_type3A_15 = arith.truncf %slice3A_14 : vector<4096x32xf32> to vector<4096x32xbf16>
    %bitcast_convert_type3A_16 = tpu.bitcast %convert_element_type3A_13 : vector<4096x32xbf16> -> vector<4096x32xi16>
    %convert_element_type3A_17 = arith.extui %bitcast_convert_type3A_16 : vector<4096x32xi16> to vector<4096x32xi32>
    %bitcast_convert_type3A_18 = tpu.bitcast %convert_element_type3A_15 : vector<4096x32xbf16> -> vector<4096x32xi16>
    %convert_element_type3A_19 = arith.extui %bitcast_convert_type3A_18 : vector<4096x32xi16> to vector<4096x32xi32>
    %shift_left3A_20 = arith.constant 16 : i32
    %shift_left3A_21 = vector.broadcast %shift_left3A_20 : i32 to vector<4096x32xi32>
    %shift_left3A_22 = arith.shli %convert_element_type3A_19, %shift_left3A_21 : vector<4096x32xi32>
    %or3A_23 = arith.ori %shift_left3A_22, %convert_element_type3A_17 : vector<4096x32xi32>
    %slice3A_24 = vector.extract_strided_slice %get3A_1 {offsets = [0, 8192], sizes = [64, 4096], strides = [1, 1]} : vector<64x16384xf32> to vector<64x4096xf32>
    %transpose3A_25 = tpu.transpose %slice3A_24, [1, 0] : vector<64x4096xf32> -> vector<4096x64xf32>
    %slice3A_26 = vector.extract_strided_slice %transpose3A_25 {offsets = [0, 0], sizes = [4096, 32], strides = [1, 1]} : vector<4096x64xf32> to vector<4096x32xf32>
    %convert_element_type3A_27 = arith.truncf %slice3A_26 : vector<4096x32xf32> to vector<4096x32xbf16>
    %slice3A_28 = vector.extract_strided_slice %transpose3A_25 {offsets = [0, 32], sizes = [4096, 32], strides = [1, 1]} : vector<4096x64xf32> to vector<4096x32xf32>
    %convert_element_type3A_29 = arith.truncf %slice3A_28 : vector<4096x32xf32> to vector<4096x32xbf16>
    %bitcast_convert_type3A_30 = tpu.bitcast %convert_element_type3A_27 : vector<4096x32xbf16> -> vector<4096x32xi16>
    %convert_element_type3A_31 = arith.extui %bitcast_convert_type3A_30 : vector<4096x32xi16> to vector<4096x32xi32>
    %bitcast_convert_type3A_32 = tpu.bitcast %convert_element_type3A_29 : vector<4096x32xbf16> -> vector<4096x32xi16>
    %convert_element_type3A_33 = arith.extui %bitcast_convert_type3A_32 : vector<4096x32xi16> to vector<4096x32xi32>
    %shift_left3A_34 = arith.constant 16 : i32
    %shift_left3A_35 = vector.broadcast %shift_left3A_34 : i32 to vector<4096x32xi32>
    %shift_left3A_36 = arith.shli %convert_element_type3A_33, %shift_left3A_35 : vector<4096x32xi32>
    %or3A_37 = arith.ori %shift_left3A_36, %convert_element_type3A_31 : vector<4096x32xi32>
    %slice3A_38 = vector.extract_strided_slice %get3A_1 {offsets = [0, 12288], sizes = [64, 4096], strides = [1, 1]} : vector<64x16384xf32> to vector<64x4096xf32>
    %transpose3A_39 = tpu.transpose %slice3A_38, [1, 0] : vector<64x4096xf32> -> vector<4096x64xf32>
    %slice3A_40 = vector.extract_strided_slice %transpose3A_39 {offsets = [0, 0], sizes = [4096, 32], strides = [1, 1]} : vector<4096x64xf32> to vector<4096x32xf32>
    %convert_element_type3A_41 = arith.truncf %slice3A_40 : vector<4096x32xf32> to vector<4096x32xbf16>
    %slice3A_42 = vector.extract_strided_slice %transpose3A_39 {offsets = [0, 32], sizes = [4096, 32], strides = [1, 1]} : vector<4096x64xf32> to vector<4096x32xf32>
    %convert_element_type3A_43 = arith.truncf %slice3A_42 : vector<4096x32xf32> to vector<4096x32xbf16>
    %bitcast_convert_type3A_44 = tpu.bitcast %convert_element_type3A_41 : vector<4096x32xbf16> -> vector<4096x32xi16>
    %convert_element_type3A_45 = arith.extui %bitcast_convert_type3A_44 : vector<4096x32xi16> to vector<4096x32xi32>
    %bitcast_convert_type3A_46 = tpu.bitcast %convert_element_type3A_43 : vector<4096x32xbf16> -> vector<4096x32xi16>
    %convert_element_type3A_47 = arith.extui %bitcast_convert_type3A_46 : vector<4096x32xi16> to vector<4096x32xi32>
    %shift_left3A_48 = arith.constant 16 : i32
    %shift_left3A_49 = vector.broadcast %shift_left3A_48 : i32 to vector<4096x32xi32>
    %shift_left3A_50 = arith.shli %convert_element_type3A_47, %shift_left3A_49 : vector<4096x32xi32>
    %or3A_51 = arith.ori %shift_left3A_50, %convert_element_type3A_45 : vector<4096x32xi32>
    %concatenate3A = tpu.concatenate %or3A, %or3A_23, %or3A_37, %or3A_51 in 1 : vector<4096x32xi32>, vector<4096x32xi32>, vector<4096x32xi32>, vector<4096x32xi32> -> vector<4096x128xi32>
    %swap3A = arith.constant 0 : index
    %swap3A_52 = arith.constant 0 : index
    %swap3A_53 = vector.load %arg2[%swap3A, %swap3A_52] : memref<4096x128xi32, #tpu.memory_space<vmem>>, vector<4096x128xi32>
    tpu.vector_store %arg2[%swap3A, %swap3A_52], %concatenate3A {strides = array<i32>} : memref<4096x128xi32, #tpu.memory_space<vmem>>, vector<4096x128xi32>,
    return
  }
  func.func @transform_0(%arg0: i32) -> (i32, i32) {
    %c0_i32 = arith.constant 0 : i32
    %c0_i32_0 = arith.constant 0 : i32
    return %c0_i32, %arg0 : i32, i32
  }
  func.func @transform_1(%arg0: i32) -> (i32, i32) {
    %c0_i32 = arith.constant 0 : i32
    %c0_i32_0 = arith.constant 0 : i32
    return %arg0, %c0_i32 : i32, i32
  }
}

module attributes {stable_mosaic.version = 14 : i64} {
  func.func @_mlp_body(%arg0: memref<4096x64xf32, #tpu.memory_space<vmem>>, %arg1: memref<64x50xf32, #tpu.memory_space<vmem>>, %arg2: memref<1x50xf32, #tpu.memory_space<vmem>>, %arg3: memref<50x16xf32, #tpu.memory_space<vmem>>, %arg4: memref<1x16xf32, #tpu.memory_space<vmem>>, %arg5: memref<16x9xf32, #tpu.memory_space<vmem>>, %arg6: memref<1x9xf32, #tpu.memory_space<vmem>>, %arg7: memref<4096x9xf32, #tpu.memory_space<vmem>>) attributes {dimension_semantics = [], scalar_prefetch = 0 : i64, scratch_operands = 0 : i64, tpu.core_type = #tpu.core_type<tc>} {
    %get3A = arith.constant 0 : index
    %get3A_0 = arith.constant 0 : index
    %get3A_1 = vector.load %arg0[%get3A, %get3A_0] : memref<4096x64xf32, #tpu.memory_space<vmem>>, vector<4096x64xf32>
    %get3A_2 = arith.constant 0 : index
    %get3A_3 = arith.constant 0 : index
    %get3A_4 = vector.load %arg1[%get3A_2, %get3A_3] : memref<64x50xf32, #tpu.memory_space<vmem>>, vector<64x50xf32>
    %dot_general3A = arith.constant dense<0.000000e+00> : vector<4096x50xf32>
    %dot_general3A_5 = tpu.matmul %get3A_1, %get3A_4, %dot_general3A {dimension_numbers = #tpu.dot_dimension_numbers<[1], [0], [0], [1], [0, 0, 1, 1], [], []>, transpose_lhs_hint = false} : vector<4096x64xf32>, vector<64x50xf32>, vector<4096x50xf32> -> vector<4096x50xf32>
    %get3A_6 = arith.constant 0 : index
    %get3A_7 = arith.constant 0 : index
    %get3A_8 = vector.load %arg2[%get3A_6, %get3A_7] : memref<1x50xf32, #tpu.memory_space<vmem>>, vector<1x50xf32>
    %add3A = vector.broadcast %get3A_8 : vector<1x50xf32> to vector<4096x50xf32>
    %add3A_9 = arith.addf %dot_general3A_5, %add3A : vector<4096x50xf32>
    %max3A = arith.constant 0.000000e+00 : f32
    %max3A_10 = vector.broadcast %max3A : f32 to vector<4096x50xf32>
    %max3A_11 = arith.maximumf %add3A_9, %max3A_10 : vector<4096x50xf32>
    %get3A_12 = arith.constant 0 : index
    %get3A_13 = arith.constant 0 : index
    %get3A_14 = vector.load %arg3[%get3A_12, %get3A_13] : memref<50x16xf32, #tpu.memory_space<vmem>>, vector<50x16xf32>
    %dot_general3A_15 = arith.constant dense<0.000000e+00> : vector<4096x16xf32>
    %dot_general3A_16 = tpu.matmul %max3A_11, %get3A_14, %dot_general3A_15 {dimension_numbers = #tpu.dot_dimension_numbers<[1], [0], [0], [1], [0, 0, 1, 1], [], []>, transpose_lhs_hint = false} : vector<4096x50xf32>, vector<50x16xf32>, vector<4096x16xf32> -> vector<4096x16xf32>
    %get3A_17 = arith.constant 0 : index
    %get3A_18 = arith.constant 0 : index
    %get3A_19 = vector.load %arg4[%get3A_17, %get3A_18] : memref<1x16xf32, #tpu.memory_space<vmem>>, vector<1x16xf32>
    %add3A_20 = vector.broadcast %get3A_19 : vector<1x16xf32> to vector<4096x16xf32>
    %add3A_21 = arith.addf %dot_general3A_16, %add3A_20 : vector<4096x16xf32>
    %max3A_22 = arith.constant 0.000000e+00 : f32
    %max3A_23 = vector.broadcast %max3A_22 : f32 to vector<4096x16xf32>
    %max3A_24 = arith.maximumf %add3A_21, %max3A_23 : vector<4096x16xf32>
    %get3A_25 = arith.constant 0 : index
    %get3A_26 = arith.constant 0 : index
    %get3A_27 = vector.load %arg5[%get3A_25, %get3A_26] : memref<16x9xf32, #tpu.memory_space<vmem>>, vector<16x9xf32>
    %dot_general3A_28 = arith.constant dense<0.000000e+00> : vector<4096x9xf32>
    %dot_general3A_29 = tpu.matmul %max3A_24, %get3A_27, %dot_general3A_28 {dimension_numbers = #tpu.dot_dimension_numbers<[1], [0], [0], [1], [0, 0, 1, 1], [], []>, transpose_lhs_hint = false} : vector<4096x16xf32>, vector<16x9xf32>, vector<4096x9xf32> -> vector<4096x9xf32>
    %get3A_30 = arith.constant 0 : index
    %get3A_31 = arith.constant 0 : index
    %get3A_32 = vector.load %arg6[%get3A_30, %get3A_31] : memref<1x9xf32, #tpu.memory_space<vmem>>, vector<1x9xf32>
    %add3A_33 = vector.broadcast %get3A_32 : vector<1x9xf32> to vector<4096x9xf32>
    %add3A_34 = arith.addf %dot_general3A_29, %add3A_33 : vector<4096x9xf32>
    %swap3A = arith.constant 0 : index
    %swap3A_35 = arith.constant 0 : index
    %swap3A_36 = vector.load %arg7[%swap3A, %swap3A_35] : memref<4096x9xf32, #tpu.memory_space<vmem>>, vector<4096x9xf32>
    tpu.vector_store %arg7[%swap3A, %swap3A_35], %add3A_34 {strides = array<i32>} : memref<4096x9xf32, #tpu.memory_space<vmem>>, vector<4096x9xf32>,
    return
  }
}

</mosaic_0001>

<sc_bundles>
// kernel: kernel.5.cloned.1.call-start
scs
__scs_entry_jumppad:
0x0: {  	(pc) =	sbr.rel $0x88, $3  }
0x1: {  	(tag) =	ssettag $0x0;
	lr =	simm.s32 $0x1  }
0x2: {  	[smem:$0x3F99] =	sst lr;
	_ =	strace $0xD0000000  }
0x3: {  	_ = 	snop  }
0x4: {  	_ = 	snop  }
0x5: {  	_ = 	snop  }
0x6: {  	_ = 	snop  }
0x7: {  	_ = 	snop  }
__scs_overlays_trampoline_lowered:
0x8: {  	[smem:$0x3FA8] =	sst s0  }
0x9: {  	[smem:$0x3FA9] =	sst s1  }
0xa: {  	[smem:$0x3FAA] =	sst s2  }
0xb: {  	[smem:$0x3FAB] =	sst s3  }
0xc: {  	[smem:$0x3FAC] =	sst s4  }
0xd: {  	[smem:$0x3FAD] =	sst s5  }
0xe: {  	[smem:$0x3FAE] =	sst s6  }
0xf: {  	[smem:$0x3FAF] =	sst s7  }
0x10: {  	[smem:$0x3FB0] =	sst s8  }
0x11: {  	[smem:$0x3FB1] =	sst s9;
	s0 =	simm.s32 @!p0 $0x0  }
0x12: {  	s1 =	sld [smem:$0x3F97];
	s0 =	simm.s32 @p0 $0x1  }
0x13: {  	[smem:$0x3FB2] =	sst s0;
	s0 =	simm.s32 @!p1 $0x0  }
0x14: {  	s2 =	sld [smem:$0x3F96];
	s0 =	simm.s32 @p1 $0x1  }
0x15: {  	[smem:$0x3FB3] =	sst s0;
	s0 =	simm.s32 @!p2 $0x0  }
0x16: {  	s3 =	sld [smem:$0x3FDB];
	s0 =	simm.s32 @p2 $0x1  }
0x17: {  	s4 =	simm.s32 $0x1BF5;
	[smem:$0x3FB5] =	sst s0  }
0x18: {  	s0 =	sld [smem:$0x3F98];
	_ =	swait.ge [sflag:s4], $0x0  }
0x19: {  	s7 =	sld [smem:$0x3F99]  }
0x1a: {  	s8 =	sadd.s32 $0xFFFFE003, lr  }
0x1b: {  	s9 =	sadd.s32 $0xFFFFFEF7, lr;
	s5 =	simm.s32 $0xFFFFFFFF;
	p2 =	slt.u32 s8, $0xFFFFF086  }
0x1c: {  	p1 =	slt.u32 s9, $0xF7A;
	s5 =	simm.s32 @!p2 $0x0  }
0x1d: {  	s5 =	simm.s32 @p1 $0x1;
	p0 =	seq.s32 s7, s2  }
0x1e: {  	s7 =	smul.u32 @!p0 $0xF7A, s2;
	p2 =	seq.s32 @!p0 s5, $0x0  }
0x1f: {  	s9 =	smul.u32 $0xF7A, s1;
	s8 =	simm.s32 @!p0 $0x1BF5;
	p2 =	por !p2, p0  }
0x20: {  	[sflag:s8] =	ssyncset.s32 @!p0 $0xFFFFF086;
	s6 =	sadd.s32 @!p0 s3, s7;
	s7 =	simm.s32 @!p0 $0x108  }
0x21: {  	s3 =	sadd.s32 s3, s9;
	s6 =	sadd.s32 @!p0 $0x88, s6;
	s7 =	simm.s32 @p2 $0x1082  }
0x22: {  	[simem:s7], [sflag:s8] =	dma.local @!p0 [hbm:s6], $0xF7A  }
0x23: {  	s9 =	sor.u32 $0xD0000000, s2;
	s6 =	simm.s32 $0x108;
	_ =	swait.ge @!p0 [sflag:s8], $0x0  }
0x24: {  	s3 =	sadd.s32 $0x88, s3;
	s6 =	simm.s32 @!p1 $0x1082;
	[sflag:s4] =	ssyncset.s32 $0xFFFFF086  }
0x25: {  	[simem:s6], [sflag:s4] =	dma.local [hbm:s3], $0xF7A  }
0x26: {  	[smem:$0x3F99] =	sst s1;
	(tag) =	ssettag s2;
	_ =	strace s9  }
0x27: {  	s1 =	sld [smem:$0x3FA9]  }
0x28: {  	s2 =	sld [smem:$0x3FAA]  }
0x29: {  	s4 =	sld [smem:$0x3FAC]  }
0x2a: {  	p0 =	seq.s32 s5, $0x0;
	s5 =	sld [smem:$0x3FAD]  }
0x2b: {  	s6 =	sld [smem:$0x3FAE]  }
0x2c: {  	s7 =	sld [smem:$0x3FAF]  }
0x2d: {  	s3 =	simm.s32 $0x108;
	s8 =	sld [smem:$0x3FB0]  }
0x2e: {  	s3 =	simm.s32 @!p0 $0x1082;
	s9 =	sld [smem:$0x3FB1]  }
0x2f: {  	lr =	sadd.s32 s0, s3;
	s0 =	sld [smem:$0x3FA8]  }
0x30: {  	s3 =	sld [smem:$0x3FAB]  }
0x31: {  	[smem:$0x3FB4] =	sst s10  }
0x32: {  	s10 =	sld [smem:$0x3FB2];
	_ =	sdelay $0x3  }
0x33: {  	p0 =	seq.s32 s10, $0x1;
	s10 =	sld [smem:$0x3FB4];
	_ =	sdelay $0x3  }
0x34: {  	[smem:$0x3FB4] =	sst s10  }
0x35: {  	s10 =	sld [smem:$0x3FB3];
	_ =	sdelay $0x3  }
0x36: {  	p1 =	seq.s32 s10, $0x1;
	s10 =	sld [smem:$0x3FB4];
	_ =	sdelay $0x3  }
0x37: {  	[smem:$0x3FB4] =	sst s10  }
0x38: {  	s10 =	sld [smem:$0x3FB5]  }
0x39: {  	_ = 	snop;
	(pc) =	sbr.ind lr, $3  }
0x3a: {  	_ = 	snop  }
0x3b: {  	_ = 	snop  }
0x3c: {  	p2 =	seq.s32 s10, $0x1;
	s10 =	sld [smem:$0x3FB4]  }
0x3d: {  	_ =	shalt  }
0x3e: {  	_ =	shalt  }
0x3f: {  	_ =	shalt  }
0x40: {  	_ =	shalt  }
0x41: {  	_ =	shalt  }
0x42: {  	_ =	shalt  }
0x43: {  	_ =	shalt  }
0x44: {  	_ =	shalt  }
0x45: {  	_ =	shalt  }
0x46: {  	_ =	shalt  }
0x47: {  	_ =	shalt  }
0x48: {  	_ =	shalt  }
0x49: {  	_ =	shalt  }
0x4a: {  	_ =	shalt  }
0x4b: {  	_ =	shalt  }
0x4c: {  	_ =	shalt  }
0x4d: {  	_ =	shalt  }
0x4e: {  	_ =	shalt  }
0x4f: {  	_ =	shalt  }
0x50: {  	_ =	shalt  }
0x51: {  	_ =	shalt  }
0x52: {  	_ =	shalt  }
0x53: {  	_ =	shalt  }
0x54: {  	_ =	shalt  }
0x55: {  	_ =	shalt  }
0x56: {  	_ =	shalt  }
0x57: {  	_ =	shalt  }
0x58: {  	_ =	shalt  }
0x59: {  	_ =	shalt  }
0x5a: {  	_ =	shalt  }
0x5b: {  	_ =	shalt  }
0x5c: {  	_ =	shalt  }
0x5d: {  	_ =	shalt  }
0x5e: {  	_ =	shalt  }
0x5f: {  	_ =	shalt  }
0x60: {  	_ =	shalt  }
0x61: {  	_ =	shalt  }
0x62: {  	_ =	shalt  }
0x63: {  	_ =	shalt  }
0x64: {  	_ =	shalt  }
0x65: {  	_ =	shalt  }
0x66: {  	_ =	shalt  }
0x67: {  	_ =	shalt  }
0x68: {  	_ =	shalt  }
0x69: {  	_ =	shalt  }
0x6a: {  	_ =	shalt  }
0x6b: {  	_ =	shalt  }
0x6c: {  	_ =	shalt  }
0x6d: {  	_ =	shalt  }
0x6e: {  	_ =	shalt  }
0x6f: {  	_ =	shalt  }
0x70: {  	_ =	shalt  }
0x71: {  	_ =	shalt  }
0x72: {  	_ =	shalt  }
0x73: {  	_ =	shalt  }
0x74: {  	_ =	shalt  }
0x75: {  	_ =	shalt  }
0x76: {  	_ =	shalt  }
0x77: {  	_ =	shalt  }
0x78: {  	_ =	shalt  }
0x79: {  	_ =	shalt  }
0x7a: {  	_ =	shalt  }
0x7b: {  	_ =	shalt  }
0x7c: {  	_ =	shalt  }
0x7d: {  	_ =	shalt  }
0x7e: {  	_ =	shalt  }
0x7f: {  	_ =	shalt  }
0x80: {  	_ =	shalt  }
0x81: {  	_ =	shalt  }
0x82: {  	_ =	shalt  }
0x83: {  	_ =	shalt  }
0x84: {  	_ =	shalt  }
0x85: {  	_ =	shalt  }
0x86: {  	_ =	shalt  }
0x87: {  	_ =	shalt  }
.Lfunc_end0:
.L_simem_size_0:
called_computation_lowered:
.L_overlay_start_0:
0x88: {  	s2 =	sld [smem:$0x3FD9]  }
0x89: {  	s3 =	sld [smem:$0x3FFE];
	_ =	sdelay $0x1  }
0x8a: {  	s1 =	srdreg.scid  }
0x8b: {  	s0 =	sand.u32 $0x1, s1  }
0x8c: {  	s16 =	sshll.u32 s0, $0xA;
	s2 =	sadd.s32 s3, s2  }
0x8d: {  	s2 =	sadd.s32 s2, s16  }
0x8e: {  	[smem:$0x3FC0] =	sst s2  }
0x8f: {  	_ = 	snop  }
0x90: {  	(tm) =	ssettm $0x1  }
0x91: {  	s17 =	sld [smem:$0x3FFB];
	_ =	sdelay $0x3  }
0x92: {  	_ =	strace s17  }
0x93: {  	s2 =	sld [smem:$0x3FFC];
	_ =	sdelay $0x3  }
0x94: {  	_ =	strace s2  }
0x95: {  	s2 =	sld [smem:$0x3FFD];
	_ =	sdelay $0x3  }
0x96: {  	_ =	strace s2  }
0x97: {  	_ =	strace $0x8FFFFFFF  }
0x98: {  	s18 =	sld [smem:$0x3FDB];
	_ =	sdelay $0x1  }
0x99: {  	s19 =	simm.s32 $_scs_section_size  }
0x9a: {  	s4 =	simm.s32 $_size__tile_overlayer_lowered;
	s5 =	simm.s32 $_tile_overlayer_lowered  }
0x9b: {  	s22 =	simm.s32 $0x1BFF;
	s21 =	sshll.u32 s5, $0x1;
	s2 =	sadd.s32 s19, s18  }
0x9c: {  	s6 =	simm.s32 $0x0;
	s20 =	sshll.u32 s4, $0x1;
	s4 =	sadd.s32 s21, s2  }
0x9d: {  	[timem:s6], [sflag:s22] =	dma.local [hbm:s4], s20  }
0x9e: {  	_ =	swait.ge [sflag:s22], s20  }
0x9f: {  	s3 =	ssub.s32 $0x0, s20;
	[sflag:s22] =	ssyncset.done $0x0  }
0xa0: {  	[sflag:s22] =	ssyncadd.s32 s3;
	_ =	sdelay $0x1  }
0xa1: {  	s23 =	simm.s32 $0x1B8B  }
0xa2: {  	_ =	swait.ge [sflag:s23], $0x1  }
0xa3: {  	[sflag:s23] =	ssyncset.done $0x0  }
0xa4: {  	s25 =	simm.s32 $0x1B8E;
	s24 =	sld [smem:$0x3FFE];
	[sflag:s23] =	ssyncadd.s32 $0xFFFFFFFF  }
0xa5: {  	s26 =	simm.s32 $execute0_lowered;
	[smem:$0x3FD2] =	sst s25  }
0xa6: {  	s4 =	sshll.u32 s26, $0x1;
	_ =	strace $0x80000046;
	[dreg:$0x1] =	wrdreg $0xFFFFFFFF  }
0xa7: {  	s28 =	simm.s32 $_size_execute0_lowered;
	s2 =	sadd.s32 s2, s4;
	[dreg:$0x0] =	wrdreg $0x0  }
0xa8: {  	s4 =	sshll.u32 s28, $0x1;
	[dreg:$0x2] =	wrdreg s2  }
0xa9: {  	[dreg:$0x3] =	wrdreg s4  }
0xaa: {  	[dreg:$0x4] =	wrdreg $0xC0  }
0xab: {  	_ =	task [dreg:s6], $0x5FFFF  }
0xac: {  	[dreg:$0x1] =	wrdreg $0xFFFFFFFF  }
0xad: {  	[dreg:$0x0] =	wrdreg $0x60  }
0xae: {  	[dreg:$0x2] =	wrdreg s24  }
0xaf: {  	[dreg:$0x3] =	wrdreg $0x9  }
0xb0: {  	_ =	task.clear_ibuf [dreg:s6], $0x4FFFF;
	_ =	strace $0x90000046  }
0xb1: {  	s29 =	simm.s32 $0x9;
	_ =	strace $0x80000048  }
0xb2: {  	_ =	swait.ge [sflag:s29], $0x1  }
0xb3: {  	[sflag:s29] =	ssyncadd.s32 $0xFFFFFFFF  }
0xb4: {  	_ =	strace $0x90000048  }
0xb5: {  	_ =	sfence  }
0xb6: {  	s30 =	sld [smem:$0x0];
	_ =	sdelay $0x2  }
0xb7: {  	s31 =	sshll.u32 s1, $0xD;
	s1 =	sshrl.u32 s1, $0x2  }
0xb8: {  	s3 =	sand.u32 $0x4000, s31;
	s1 =	sadd.s32 s1, s30  }
0xb9: {  	s0 =	sor.u32 s3, s0;
	s1 =	sshll.u32 s1, $0x11  }
0xba: {  	s0 =	sor.u32 s1, s0  }
0xbb: {  	s0 =	sadd.s32 $0x8F2B, s0  }
0xbc: {  	[sflag:s0] =	ssyncadd.remote.s32 $0x1  }
0xbd: {  	_ =	sfence.sel $0xFFFF  }
0xbe: {  	[dreg:$0x0] =	wrdreg $0xFFFFFFFF;
	(pc) =	sbr.abs _section_cstart, $3  }
0xbf: {  	[dreg:$0x1] =	wrdreg $0xFFFFFFFF  }
0xc0: {  	_ =	task.clear_ibuf [dreg:s6], $0x2FFFF;
	_ =	strace $0x9FFFFFFF  }
0xc1: {  	(tm) =	ssettm $0x7FFFFFFF  }
tec
execute0_lowered:
.L_overlay_start_1:
0x0: {  	(tag) =	ssettag $0x1  }
0x1: {  	s4 =	rddreg [dreg:$0x0]  }
0x2: {  	s0 =	rddreg [dreg:$0x1]  }
0x3: {  	s3 =	srdreg.scid;
	s1 =	stileid.u32  }
0x4: {  	s2 =	simm.s32 $0x0;
	s9 =	simm.s32 $0x6800;
	s10 =	simm.s32 $0x68  }
0x5: {  	s11 =	simm.s32 $0x7480;
	s12 =	simm.s32 $0xD0;
	s13 =	simm.s32 $0x8100  }
0x6: {  	s14 =	simm.s32 $0x138;
	s15 =	simm.s32 $0x8D80;
	s16 =	simm.s32 $0x1  }
0x7: {  	s17 =	simm.s32 $0x2;
	s18 =	simm.s32 $0x3;
	s19 =	simm.s32 $0x4  }
0x8: {  	s20 =	simm.s32 $0x9A00;
	s3 =	sand.u32 $0x1, s3;
	s5 =	sshll.u32 s1, $0x1  }
0x9: {  	s21 =	simm.s32 $0x0;
	[smem:$0x7FF] =	sst s2;
	s5 =	sor.u32 s3, s5  }
.Ltmp0:
0xa: {  	_ =	strace $0x80000047;
	s7 =	ssub.s32 $0x2, s3;
	(pc) =	sbr.rel .LBB2_1-.Ltmp0, $4  }
0xb: {  	s6 =	smul.u32 $0xD00, s5;
	s5 =	sshll.u32 s5, $0xA;
	s8 =	sshrl.u32 s7, $0x1  }
0xc: {  	s3 =	sadd.s32 $0x1B000, s4;
	s5 =	sadd.s32 s5, s4;
	s7 =	ssub.s32 s7, s8  }
0xd: {  	s8 =	simm.s32 $0x64;
	s6 =	sadd.s32 s6, s4;
	s5 =	sadd.s32 $0x3FB000, s5  }
0xe: {  	s4 =	sadd.s32 $0x1000, s6;
	s6 =	smax.u32 s7, $0x1;
	s7 =	simm.s32 $0x5  }
.LBB2_16:
0xf: {  	s21 =	sadd.s32 $0x1, s21  }
0x10: {  	p0 =	sne.s32 s21, s6  }
.Ltmp1:
0x11: {  	_ = 	snop;
	(pc) =	sbr.rel @!p0 .LBB2_17-.Ltmp1, $4  }
0x12: {  	[hbm4b:s5+s2] =	stream.linear.scatter [tilespmem:s20], [sflag:$0x5], $0x2000, $0x38;
	[tilespmem:$0xBA00] =	vst v63  }
0x13: {  	_ =	swait.ge [sflag:s7], $0x2000  }
0x14: {  	[sflag:s7] =	ssyncset.done $0x0  }
0x15: {  	[sflag:s7] =	ssyncadd.s32 $0xFFFFE000  }
.LBB2_1:
0x16: {  	[tilespmem:s2], [sflag:$0x5] =	stream.linear.gather [hbm4b:s4+s2], $0x6800, $0x38;
	[tilespmem:$0xBA00] =	vst v63  }
0x17: {  	_ =	swait.ge [sflag:s7], $0x6800  }
0x18: {  	[sflag:s7] =	ssyncset.done $0x0  }
0x19: {  	s22 =	simm.s32 $0x0;
	s23 =	simm.s32 $0x0;
	[sflag:s7] =	ssyncadd.s32 $0xFFFF9800  }
.LBB2_2:
0x1a: {  	v0 =	vmov s22;
	_ =	sdelay $0x3  }
0x1b: {  	s24 =	simm.s32 $0x0  }
0x1c: {  	v1 =	vld.idx.msk [tilespmem:v0+s24+$0x0 ss:$0x1], $0xffff;
	_ =	sdelay $0x4  }
0x1d: {  	v2 =	vshll.u32 v1, $0x2  }
0x1e: {  	v3 =	vshrl.u32 v1, $0xC;
	v1 =	vand.u32 $0xFFFFC000, v1;
	v2 =	vand.u32 $0x3FFC, v2  }
0x1f: {  	v3 =	vand.u32 $0x3, v3;
	v1 =	vor.u32 v1, v2  }
0x20: {  	v1 =	vor.u32 v3, v1  }
0x21: {  	[tilespmem:v0+s24+$0x0 ss:$0x1] =	vst.idx.msk $0xffff, v1  }
0x22: {  	v1 =	vld.idx.msk [tilespmem:v0+s24+$0x10 ss:$0x1], $0xffff;
	_ =	sdelay $0x4  }
0x23: {  	v2 =	vshll.u32 v1, $0x2  }
0x24: {  	v3 =	vshrl.u32 v1, $0xC;
	v1 =	vand.u32 $0xFFFFC000, v1;
	v2 =	vand.u32 $0x3FFC, v2  }
0x25: {  	v3 =	vand.u32 $0x3, v3;
	v1 =	vor.u32 v1, v2  }
0x26: {  	v1 =	vor.u32 v3, v1  }
0x27: {  	v2 =	vld.idx.msk [tilespmem:v0+s24+$0x54 ss:$0x1], $0xffff;
	[tilespmem:v0+s24+$0x10 ss:$0x1] =	vst.idx.msk $0xffff, v1  }
0x28: {  	v1 =	vld.idx.msk [tilespmem:v0+s24+$0x20 ss:$0x1], $0xffff;
	_ =	sdelay $0x4  }
0x29: {  	v3 =	vshll.u32 v1, $0x2  }
0x2a: {  	v4 =	vshrl.u32 v1, $0xC;
	v1 =	vand.u32 $0xFFFFC000, v1;
	v3 =	vand.u32 $0x3FFC, v3  }
0x2b: {  	v4 =	vand.u32 $0x3, v4;
	v1 =	vor.u32 v1, v3  }
0x2c: {  	v1 =	vor.u32 v4, v1  }
0x2d: {  	[tilespmem:v0+s24+$0x20 ss:$0x1] =	vst.idx.msk $0xffff, v1  }
0x2e: {  	v1 =	vld.idx.msk [tilespmem:v0+s24+$0x30 ss:$0x1], $0xffff;
	_ =	sdelay $0x4  }
0x2f: {  	v3 =	vshll.u32 v1, $0x2  }
0x30: {  	v61 =	vshrl.u32 v1, $0xC;
	v1 =	vand.u32 $0xFFFFC000, v1;
	v3 =	vand.u32 $0x3FFC, v3  }
0x31: {  	v4 =	vand.u32 $0x3, v61;
	v1 =	vor.u32 v1, v3  }
0x32: {  	v1 =	vor.u32 v4, v1  }
0x33: {  	[tilespmem:v0+s24+$0x30 ss:$0x1] =	vst.idx.msk $0xffff, v1  }
0x34: {  	v1 =	vld.idx.msk [tilespmem:v0+s24+$0x40 ss:$0x1], $0xffff;
	_ =	sdelay $0x4  }
0x35: {  	v3 =	vshll.u32 v1, $0x2  }
0x36: {  	v62 =	vshrl.u32 v1, $0xC;
	v1 =	vand.u32 $0xFFFFC000, v1;
	v3 =	vand.u32 $0x3FFC, v3  }
0x37: {  	v4 =	vand.u32 $0x3, v62;
	v1 =	vor.u32 v1, v3  }
0x38: {  	v1 =	vor.u32 v4, v1  }
0x39: {  	[tilespmem:v0+s24+$0x40 ss:$0x1] =	vst.idx.msk $0xffff, v1  }
0x3a: {  	v1 =	vld.idx.msk [tilespmem:v0+s24+$0x50 ss:$0x1], $0xffff;
	_ =	sdelay $0x3  }
0x3b: {  	v63 =	vshrl.u32 v2, $0xC  }
0x3c: {  	v3 =	vshll.u32 v2, $0x2;
	v2 =	vand.u32 $0xFFFFC000, v2;
	v5 =	vshll.u32 v1, $0x2  }
0x3d: {  	v6 =	vshrl.u32 v1, $0xC;
	v1 =	vand.u32 $0xFFFFC000, v1;
	v5 =	vand.u32 $0x3FFC, v5  }
0x3e: {  	v3 =	vand.u32 $0x3FFC, v3;
	v6 =	vand.u32 $0x3, v6;
	v1 =	vor.u32 v1, v5  }
0x3f: {  	v2 =	vor.u32 v2, v3;
	v3 =	vand.u32 $0x3, v63;
	v1 =	vor.u32 v6, v1  }
0x40: {  	s25 =	simm.s32 $0x340;
	s28 =	simm.s32 $0x68;
	[tilespmem:v0+s24+$0x50 ss:$0x1] =	vst.idx.msk $0xffff, v1;
	v1 =	vor.u32 v3, v2  }
.LBB2_3:
0x41: {  	p0 =	sne.s32 s25, $0x4E0;
	v2 =	vld.idx.msk [tilespmem:v0+s28+$0x0 ss:$0x1], $0xffff;
	[tilespmem:v0+s24+$0x54 ss:$0x1] =	vst.idx.msk $0xffff, v1;
	s26 =	smov.u32 s25;
	s25 =	sadd.s32 $0x1A0, s25  }
0x42: {  	s24 =	smov.u32 s28;
	_ =	sdelay $0x4  }
0x43: {  	v1 =	vshll.u32 v2, $0x2;
	v3 =	vshrl.u32 v2, $0xC  }
0x44: {  	v2 =	vand.u32 $0xFFFFC000, v2;
	v1 =	vand.u32 $0x3FFC, v1  }
0x45: {  	v3 =	vand.u32 $0x3, v3;
	v1 =	vor.u32 v2, v1  }
0x46: {  	v1 =	vor.u32 v3, v1  }
0x47: {  	[tilespmem:v0+s24+$0x0 ss:$0x1] =	vst.idx.msk $0xffff, v1  }
0x48: {  	v1 =	vld.idx.msk [tilespmem:v0+s24+$0x10 ss:$0x1], $0xffff;
	_ =	sdelay $0x5  }
0x49: {  	v2 =	vshll.u32 v1, $0x2;
	v3 =	vshrl.u32 v1, $0xC  }
0x4a: {  	v1 =	vand.u32 $0xFFFFC000, v1;
	v2 =	vand.u32 $0x3FFC, v2  }
0x4b: {  	v3 =	vand.u32 $0x3, v3;
	v1 =	vor.u32 v1, v2  }
0x4c: {  	v1 =	vor.u32 v3, v1;
	v2 =	vld.idx.msk [tilespmem:v0+s24+$0x54 ss:$0x1], $0xffff  }
0x4d: {  	[tilespmem:v0+s24+$0x10 ss:$0x1] =	vst.idx.msk $0xffff, v1  }
0x4e: {  	v1 =	vld.idx.msk [tilespmem:v0+s24+$0x20 ss:$0x1], $0xffff;
	_ =	sdelay $0x3  }
0x4f: {  	v3 =	vshll.u32 v2, $0x2;
	v4 =	vshrl.u32 v2, $0xC  }
0x50: {  	v2 =	vand.u32 $0xFFFFC000, v2;
	v3 =	vand.u32 $0x3FFC, v3  }
0x51: {  	v5 =	vshll.u32 v1, $0x2;
	v6 =	vshrl.u32 v1, $0xC;
	v2 =	vor.u32 v2, v3  }
0x52: {  	v1 =	vand.u32 $0xFFFFC000, v1;
	v3 =	vand.u32 $0x3FFC, v5  }
0x53: {  	v5 =	vand.u32 $0x3, v6;
	v1 =	vor.u32 v1, v3  }
0x54: {  	v1 =	vor.u32 v5, v1  }
0x55: {  	[tilespmem:v0+s24+$0x20 ss:$0x1] =	vst.idx.msk $0xffff, v1  }
0x56: {  	v1 =	vld.idx.msk [tilespmem:v0+s24+$0x30 ss:$0x1], $0xffff;
	_ =	sdelay $0x5  }
0x57: {  	v3 =	vshll.u32 v1, $0x2;
	v5 =	vshrl.u32 v1, $0xC  }
0x58: {  	v1 =	vand.u32 $0xFFFFC000, v1;
	v3 =	vand.u32 $0x3FFC, v3  }
0x59: {  	v5 =	vand.u32 $0x3, v5;
	v1 =	vor.u32 v1, v3  }
0x5a: {  	v1 =	vor.u32 v5, v1  }
0x5b: {  	[tilespmem:v0+s24+$0x30 ss:$0x1] =	vst.idx.msk $0xffff, v1  }
0x5c: {  	v1 =	vld.idx.msk [tilespmem:v0+s24+$0x40 ss:$0x1], $0xffff;
	_ =	sdelay $0x5  }
0x5d: {  	v3 =	vshll.u32 v1, $0x2;
	v5 =	vshrl.u32 v1, $0xC  }
0x5e: {  	v1 =	vand.u32 $0xFFFFC000, v1;
	v3 =	vand.u32 $0x3FFC, v3  }
0x5f: {  	v5 =	vand.u32 $0x3, v5;
	v1 =	vor.u32 v1, v3  }
0x60: {  	v1 =	vor.u32 v5, v1  }
0x61: {  	[tilespmem:v0+s24+$0x40 ss:$0x1] =	vst.idx.msk $0xffff, v1  }
0x62: {  	v1 =	vld.idx.msk [tilespmem:v0+s24+$0x50 ss:$0x1], $0xffff;
	_ =	sdelay $0x5  }
.Ltmp2:
0x63: {  	v3 =	vshll.u32 v1, $0x2;
	v5 =	vshrl.u32 v1, $0xC;
	(pc) =	sbr.rel @p0 .LBB2_3-.Ltmp2, $4  }
0x64: {  	v1 =	vand.u32 $0xFFFFC000, v1;
	v3 =	vand.u32 $0x3FFC, v3  }
0x65: {  	v5 =	vand.u32 $0x3, v5;
	v1 =	vor.u32 v1, v3  }
0x66: {  	v3 =	vand.u32 $0x3, v4;
	v1 =	vor.u32 v5, v1  }
0x67: {  	s28 =	sshra.s32 s26, $0x2;
	[tilespmem:v0+s24+$0x50 ss:$0x1] =	vst.idx.msk $0xffff, v1;
	v1 =	vor.u32 v3, v2  }
0x68: {  	_ =	sdelay $0x3  }
0x69: {  	v2 =	vld.idx.msk [tilespmem:v0+s28+$0x0 ss:$0x1], $0xffff;
	_ =	sdelay $0x4  }
0x6a: {  	v3 =	vshll.u32 v2, $0x2  }
0x6b: {  	v4 =	vshrl.u32 v2, $0xC;
	v2 =	vand.u32 $0xFFFFC000, v2;
	v3 =	vand.u32 $0x3FFC, v3  }
0x6c: {  	v4 =	vand.u32 $0x3, v4;
	v2 =	vor.u32 v2, v3  }
0x6d: {  	[tilespmem:v0+s24+$0x54 ss:$0x1] =	vst.idx.msk $0xffff, v1;
	v50 =	vor.u32 v4, v2  }
0x6e: {  	[tilespmem:v0+s28+$0x0 ss:$0x1] =	vst.idx.msk $0xffff, v50  }
0x6f: {  	v1 =	vld.idx.msk [tilespmem:v0+s28+$0x10 ss:$0x1], $0xffff;
	_ =	sdelay $0x4  }
0x70: {  	v51 =	vshll.u32 v1, $0x2  }
0x71: {  	v52 =	vshrl.u32 v1, $0xC;
	v1 =	vand.u32 $0xFFFFC000, v1;
	v2 =	vand.u32 $0x3FFC, v51  }
0x72: {  	v3 =	vand.u32 $0x3, v52;
	v1 =	vor.u32 v1, v2  }
0x73: {  	v1 =	vor.u32 v3, v1  }
0x74: {  	v53 =	vld.idx.msk [tilespmem:v0+s28+$0x54 ss:$0x1], $0xffff;
	[tilespmem:v0+s28+$0x10 ss:$0x1] =	vst.idx.msk $0xffff, v1  }
0x75: {  	v1 =	vld.idx.msk [tilespmem:v0+s28+$0x20 ss:$0x1], $0xffff;
	_ =	sdelay $0x4  }
0x76: {  	v54 =	vshll.u32 v1, $0x2  }
0x77: {  	v55 =	vshrl.u32 v1, $0xC;
	v1 =	vand.u32 $0xFFFFC000, v1;
	v3 =	vand.u32 $0x3FFC, v54  }
0x78: {  	v4 =	vand.u32 $0x3, v55;
	v1 =	vor.u32 v1, v3  }
0x79: {  	v1 =	vor.u32 v4, v1  }
0x7a: {  	[tilespmem:v0+s28+$0x20 ss:$0x1] =	vst.idx.msk $0xffff, v1  }
0x7b: {  	v1 =	vld.idx.msk [tilespmem:v0+s28+$0x30 ss:$0x1], $0xffff;
	_ =	sdelay $0x4  }
0x7c: {  	v56 =	vshll.u32 v1, $0x2  }
0x7d: {  	v57 =	vshrl.u32 v1, $0xC;
	v1 =	vand.u32 $0xFFFFC000, v1;
	v3 =	vand.u32 $0x3FFC, v56  }
0x7e: {  	v4 =	vand.u32 $0x3, v57;
	v1 =	vor.u32 v1, v3  }
0x7f: {  	v1 =	vor.u32 v4, v1  }
0x80: {  	[tilespmem:v0+s28+$0x30 ss:$0x1] =	vst.idx.msk $0xffff, v1  }
0x81: {  	v1 =	vld.idx.msk [tilespmem:v0+s28+$0x40 ss:$0x1], $0xffff;
	_ =	sdelay $0x4  }
0x82: {  	v58 =	vshll.u32 v1, $0x2  }
0x83: {  	v59 =	vshrl.u32 v1, $0xC;
	v1 =	vand.u32 $0xFFFFC000, v1;
	v3 =	vand.u32 $0x3FFC, v58  }
0x84: {  	v4 =	vand.u32 $0x3, v59;
	v1 =	vor.u32 v1, v3  }
0x85: {  	v1 =	vor.u32 v4, v1  }
0x86: {  	[tilespmem:v0+s28+$0x40 ss:$0x1] =	vst.idx.msk $0xffff, v1  }
0x87: {  	v1 =	vld.idx.msk [tilespmem:v0+s28+$0x50 ss:$0x1], $0xffff;
	_ =	sdelay $0x3  }
0x88: {  	s23 =	sadd.s32 $0x1, s23;
	v60 =	vshll.u32 v53, $0x2  }
0x89: {  	p0 =	sne.s32 s23, $0x40;
	v61 =	vshrl.u32 v53, $0xC;
	v2 =	vand.u32 $0xFFFFC000, v53;
	v5 =	vshll.u32 v1, $0x2  }
.Ltmp3:
0x8a: {  	v6 =	vshrl.u32 v1, $0xC;
	v1 =	vand.u32 $0xFFFFC000, v1;
	v5 =	vand.u32 $0x3FFC, v5;
	(pc) =	sbr.rel @p0 .LBB2_2-.Ltmp3, $4  }
0x8b: {  	v3 =	vand.u32 $0x3FFC, v60;
	v6 =	vand.u32 $0x3, v6;
	v1 =	vor.u32 v1, v5  }
0x8c: {  	v62 =	vand.u32 $0x3, v61;
	v2 =	vor.u32 v2, v3;
	v1 =	vor.u32 v6, v1  }
0x8d: {  	v63 =	vor.u32 v62, v2;
	[tilespmem:v0+s28+$0x50 ss:$0x1] =	vst.idx.msk $0xffff, v1  }
0x8e: {  	s22 =	sadd.s32 $0x1A0, s22;
	[tilespmem:v0+s28+$0x54 ss:$0x1] =	vst.idx.msk $0xffff, v63  }
0x8f: {  	s22 =	simm.s32 $0x0  }
0x90: {  	[tilespmem:s9], [sflag:$0x1] =	stream.indirect.gather [hbm4b:s3+s8], $0x20, s22, s8, $0xb8;
	[tilespmem:$0xBA00] =	vst v63  }
0x91: {  	_ = 	snop  }
0x92: {  	[tilespmem:s11], [sflag:$0x2] =	stream.indirect.gather [hbm4b:s3+s8], $0x20, s10, s8, $0xb8;
	[tilespmem:$0xBA00] =	vst v63  }
0x93: {  	_ = 	snop  }
0x94: {  	[tilespmem:s13], [sflag:$0x3] =	stream.indirect.gather [hbm4b:s3+s8], $0x20, s12, s8, $0xb8;
	[tilespmem:$0xBA00] =	vst v63  }
0x95: {  	_ = 	snop  }
0x96: {  	[tilespmem:s15], [sflag:$0x4] =	stream.indirect.gather [hbm4b:s3+s8], $0x20, s14, s8, $0xb8;
	[tilespmem:$0xBA00] =	vst v63  }
.LBB2_6:
0x97: {  	_ =	swait.ge [sflag:s16], $0xC80  }
0x98: {  	[sflag:s16] =	ssyncset.done $0x0  }
0x99: {  	s23 =	simm.s32 $0x0;
	[sflag:s16] =	ssyncadd.s32 $0xFFFFF380  }
0x9a: {  	v15 =	vld [tilespmem:s23+$0x6860]  }
0x9b: {  	v1 =	vld [tilespmem:s23+$0x6870]  }
0x9c: {  	v9 =	vld [tilespmem:s23+$0x6840]  }
0x9d: {  	v10 =	vld [tilespmem:s23+$0x6850]  }
0x9e: {  	v4 =	vld [tilespmem:s23+$0x6820]  }
0x9f: {  	v5 =	vld [tilespmem:s23+$0x6830]  }
0xa0: {  	v3 =	vld [tilespmem:s23+$0x6800]  }
0xa1: {  	v6 =	vld [tilespmem:s23+$0x6810];
	_ =	sdelay $0x1  }
0xa2: {  	v11 =	vimm.f32 $0.0e+00  }
0xa3: {  	s31 =	simm.s32 $0x80;
	v12 =	vshll.u32 v9, $0x10;
	v7 =	vshll.u32 v15, $0x10;
	v8 =	vshll.u32 v1, $0x10  }
0xa4: {  	v0 =	vld [tilespmem:s31+$0x6860];
	v13 =	vshll.u32 v4, $0x10;
	v14 =	vshll.u32 v5, $0x10;
	v16 =	vshll.u32 v10, $0x10  }
0xa5: {  	v2 =	vld [tilespmem:s31+$0x6870];
	v17 =	vshll.u32 v3, $0x10;
	v18 =	vshll.u32 v6, $0x10;
	v19 =	vand.u32 $0xFFFF0000, v3  }
0xa6: {  	v3 =	vld [tilespmem:s31+$0x6840];
	v20 =	vand.u32 $0xFFFF0000, v6;
	v17 =	vadd.f32 v17, v11;
	v18 =	vadd.f32 v18, v11  }
0xa7: {  	v6 =	vld [tilespmem:s31+$0x6850];
	v61 =	vand.u32 $0xFFFF0000, v4;
	v19 =	vadd.f32 v19, v11;
	v11 =	vadd.f32 v20, v11  }
0xa8: {  	v4 =	vld [tilespmem:s31+$0x6820];
	v13 =	vadd.f32 v13, v17;
	v14 =	vadd.f32 v14, v18;
	v17 =	vand.u32 $0xFFFF0000, v5  }
0xa9: {  	v63 =	vand.u32 $0xFFFF0000, v9;
	v9 =	vld [tilespmem:s31+$0x6800];
	v62 =	vadd.f32 v61, v19;
	v17 =	vadd.f32 v17, v11  }
0xaa: {  	v5 =	vld [tilespmem:s31+$0x6830];
	v11 =	vadd.f32 v12, v13;
	v12 =	vadd.f32 v16, v14;
	v14 =	vand.u32 $0xFFFF0000, v10  }
0xab: {  	s23 =	simm.s32 $0x400;
	v15 =	vand.u32 $0xFFFF0000, v15;
	v10 =	vld [tilespmem:s31+$0x6810];
	v13 =	vadd.f32 v63, v62;
	v14 =	vadd.f32 v14, v17  }
.LBB2_7:
0xac: {  	p0 =	sne.s32 s23, $0x3000;
	v11 =	vadd.f32 v7, v11;
	v12 =	vadd.f32 v8, v12;
	v7 =	vand.u32 $0xFFFF0000, v1;
	v1 =	vmovc v2;
	v16 =	vmovc v6  }
0xad: {  	v13 =	vadd.f32 v15, v13;
	v14 =	vadd.f32 v7, v14  }
0xae: {  	s24 =	sshra.s32 s23, $0x2;
	v15 =	vshll.u32 v3, $0x10;
	v7 =	vshll.u32 v0, $0x10;
	v8 =	vshll.u32 v1, $0x10  }
0xaf: {  	v18 =	vshll.u32 v4, $0x10;
	v20 =	vshll.u32 v16, $0x10;
	v19 =	vshll.u32 v5, $0x10;
	v17 =	vld [tilespmem:s24+$0x6860]  }
0xb0: {  	v6 =	vshll.u32 v9, $0x10;
	v9 =	vand.u32 $0xFFFF0000, v9;
	v2 =	vld [tilespmem:s24+$0x6870];
	v21 =	vshll.u32 v10, $0x10  }
0xb1: {  	v11 =	vadd.f32 v6, v11;
	v10 =	vand.u32 $0xFFFF0000, v10;
	v22 =	vld [tilespmem:s24+$0x6840];
	v12 =	vadd.f32 v21, v12  }
.Ltmp4:
0xb2: {  	v9 =	vadd.f32 v9, v13;
	v13 =	vand.u32 $0xFFFF0000, v4;
	v10 =	vadd.f32 v10, v14;
	v6 =	vld [tilespmem:s24+$0x6850];
	(pc) =	sbr.rel @p0 .LBB2_7-.Ltmp4, $4  }
0xb3: {  	v14 =	vand.u32 $0xFFFF0000, v5;
	v11 =	vadd.f32 v18, v11;
	v4 =	vld [tilespmem:s24+$0x6820];
	v12 =	vadd.f32 v19, v12  }
0xb4: {  	v13 =	vadd.f32 v13, v9;
	v18 =	vand.u32 $0xFFFF0000, v3;
	v14 =	vadd.f32 v14, v10;
	v5 =	vld [tilespmem:s24+$0x6830]  }
0xb5: {  	v11 =	vadd.f32 v15, v11;
	v15 =	vand.u32 $0xFFFF0000, v16;
	v9 =	vld [tilespmem:s24+$0x6800];
	v12 =	vadd.f32 v20, v12  }
0xb6: {  	s23 =	sadd.s32 $0x200, s23;
	v13 =	vadd.f32 v18, v13;
	v14 =	vadd.f32 v15, v14;
	v15 =	vand.u32 $0xFFFF0000, v0;
	v0 =	vmovc v17;
	v10 =	vld [tilespmem:s24+$0x6810];
	v3 =	vmovc v22  }
0xb7: {  	p0 =	seq.s32 s22, $0x3F  }
0xb8: {  	s23 =	smul.u32 @!p0 $0x680, s22;
	_ =	sdelay $0x1  }
0xb9: {  	s24 =	sshra.s32 @!p0 s23, $0x2  }
0xba: {  	s25 =	simm.s32 @!p0 $0x64;
	s26 =	simm.s32 @!p0 $0x6800;
	s23 =	sadd.s32 @!p0 $0x1A0, s24  }
0xbb: {  	[tilespmem:s26], [sflag:$0x1] =	stream.indirect.gather @!p0 [hbm4b:s3+s25], $0x20, s23, s25, $0xb8;
	[tilespmem:$0xBA00] =	vst v63  }
0xbc: {  	v7 =	vadd.f32 v7, v11;
	v8 =	vadd.f32 v8, v12;
	_ =	swait.ge [sflag:s17], $0xC80  }
0xbd: {  	v1 =	vand.u32 $0xFFFF0000, v1;
	v18 =	vshll.u32 v6, $0x10;
	v6 =	vand.u32 $0xFFFF0000, v6;
	[sflag:s17] =	ssyncset.done $0x0  }
0xbe: {  	s30 =	simm.s32 $0x0;
	v11 =	vadd.f32 v15, v13;
	v12 =	vadd.f32 v1, v14;
	v13 =	vshll.u32 v3, $0x10;
	[sflag:s17] =	ssyncadd.s32 $0xFFFFF380  }
0xbf: {  	v14 =	vshll.u32 v0, $0x10;
	v16 =	vshll.u32 v4, $0x10;
	v4 =	vand.u32 $0xFFFF0000, v4;
	v19 =	vld [tilespmem:s30+$0x74E0]  }
0xc0: {  	v20 =	vshll.u32 v9, $0x10;
	v9 =	vand.u32 $0xFFFF0000, v9;
	v21 =	vshll.u32 v10, $0x10;
	v1 =	vld [tilespmem:s30+$0x74F0]  }
0xc1: {  	v7 =	vadd.f32 v20, v7;
	v10 =	vand.u32 $0xFFFF0000, v10;
	v9 =	vadd.f32 v9, v11;
	v59 =	vld [tilespmem:s30+$0x74C0]  }
0xc2: {  	v17 =	vshll.u32 v5, $0x10;
	v8 =	vadd.f32 v21, v8;
	v10 =	vadd.f32 v10, v12;
	v60 =	vld [tilespmem:s30+$0x74D0]  }
0xc3: {  	v5 =	vand.u32 $0xFFFF0000, v5;
	v7 =	vadd.f32 v16, v7;
	v4 =	vadd.f32 v4, v9;
	v11 =	vld [tilespmem:s30+$0x74A0]  }
0xc4: {  	v3 =	vand.u32 $0xFFFF0000, v3;
	v8 =	vadd.f32 v17, v8;
	v5 =	vadd.f32 v5, v10;
	v9 =	vld [tilespmem:s30+$0x74B0]  }
0xc5: {  	v15 =	vshll.u32 v2, $0x10;
	v7 =	vadd.f32 v13, v7;
	v3 =	vadd.f32 v3, v4;
	v10 =	vld [tilespmem:s30+$0x7480]  }
0xc6: {  	v0 =	vand.u32 $0xFFFF0000, v0;
	v8 =	vadd.f32 v18, v8;
	v4 =	vadd.f32 v6, v5;
	v5 =	vld [tilespmem:s30+$0x7490]  }
0xc7: {  	v2 =	vand.u32 $0xFFFF0000, v2;
	v12 =	vadd.f32 v14, v7;
	v13 =	vadd.f32 v0, v3  }
0xc8: {  	v8 =	vadd.f32 v15, v8;
	v4 =	vadd.f32 v2, v4  }
0xc9: {  	s31 =	simm.s32 $0x80;
	v14 =	vshll.u32 v59, $0x10;
	v6 =	vshll.u32 v19, $0x10;
	v7 =	vshll.u32 v1, $0x10  }
0xca: {  	v0 =	vld [tilespmem:s31+$0x74E0];
	v15 =	vshll.u32 v11, $0x10;
	v16 =	vshll.u32 v9, $0x10;
	v17 =	vshll.u32 v60, $0x10  }
0xcb: {  	v3 =	vld [tilespmem:s31+$0x74C0];
	v61 =	vshll.u32 v10, $0x10;
	v22 =	vshll.u32 v5, $0x10;
	v10 =	vand.u32 $0xFFFF0000, v10  }
0xcc: {  	v2 =	vld [tilespmem:s31+$0x74F0];
	v5 =	vand.u32 $0xFFFF0000, v5;
	v12 =	vadd.f32 v61, v12;
	v62 =	vadd.f32 v22, v8  }
0xcd: {  	v11 =	vand.u32 $0xFFFF0000, v11;
	v8 =	vld [tilespmem:s31+$0x74D0];
	v10 =	vadd.f32 v10, v13;
	v13 =	vadd.f32 v5, v4  }
0xce: {  	v9 =	vand.u32 $0xFFFF0000, v9;
	v4 =	vld [tilespmem:s31+$0x74A0];
	v12 =	vadd.f32 v15, v12;
	v15 =	vadd.f32 v16, v62  }
0xcf: {  	v5 =	vld [tilespmem:s31+$0x74B0];
	v16 =	vadd.f32 v11, v10;
	v63 =	vadd.f32 v9, v13;
	v13 =	vand.u32 $0xFFFF0000, v59  }
0xd0: {  	v9 =	vld [tilespmem:s31+$0x7480];
	v11 =	vadd.f32 v14, v12;
	v12 =	vadd.f32 v17, v15;
	v14 =	vand.u32 $0xFFFF0000, v60  }
0xd1: {  	s23 =	simm.s32 $0x400;
	v10 =	vld [tilespmem:s31+$0x7490];
	v13 =	vadd.f32 v13, v16;
	v15 =	vand.u32 $0xFFFF0000, v19;
	v14 =	vadd.f32 v14, v63  }
.LBB2_9:
0xd2: {  	p1 =	sne.s32 s23, $0x3000;
	v11 =	vadd.f32 v6, v11;
	v12 =	vadd.f32 v7, v12;
	v6 =	vand.u32 $0xFFFF0000, v1;
	v1 =	vmovc v2;
	v16 =	vmovc v8  }
0xd3: {  	v13 =	vadd.f32 v15, v13;
	v14 =	vadd.f32 v6, v14  }
0xd4: {  	s25 =	sshra.s32 s23, $0x2;
	v15 =	vshll.u32 v3, $0x10;
	v6 =	vshll.u32 v0, $0x10;
	v7 =	vshll.u32 v1, $0x10  }
0xd5: {  	v18 =	vshll.u32 v4, $0x10;
	v20 =	vshll.u32 v16, $0x10;
	v19 =	vshll.u32 v5, $0x10;
	v17 =	vld [tilespmem:s25+$0x74E0]  }
0xd6: {  	v8 =	vshll.u32 v9, $0x10;
	v9 =	vand.u32 $0xFFFF0000, v9;
	v2 =	vld [tilespmem:s25+$0x74F0];
	v21 =	vshll.u32 v10, $0x10  }
0xd7: {  	v11 =	vadd.f32 v8, v11;
	v10 =	vand.u32 $0xFFFF0000, v10;
	v22 =	vld [tilespmem:s25+$0x74C0];
	v12 =	vadd.f32 v21, v12  }
.Ltmp5:
0xd8: {  	v9 =	vadd.f32 v9, v13;
	v13 =	vand.u32 $0xFFFF0000, v4;
	v10 =	vadd.f32 v10, v14;
	v8 =	vld [tilespmem:s25+$0x74D0];
	(pc) =	sbr.rel @p1 .LBB2_9-.Ltmp5, $4  }
0xd9: {  	v14 =	vand.u32 $0xFFFF0000, v5;
	v11 =	vadd.f32 v18, v11;
	v4 =	vld [tilespmem:s25+$0x74A0];
	v12 =	vadd.f32 v19, v12  }
0xda: {  	v13 =	vadd.f32 v13, v9;
	v18 =	vand.u32 $0xFFFF0000, v3;
	v14 =	vadd.f32 v14, v10;
	v5 =	vld [tilespmem:s25+$0x74B0]  }
0xdb: {  	v11 =	vadd.f32 v15, v11;
	v15 =	vand.u32 $0xFFFF0000, v16;
	v9 =	vld [tilespmem:s25+$0x7480];
	v12 =	vadd.f32 v20, v12  }
0xdc: {  	s23 =	sadd.s32 $0x200, s23;
	v13 =	vadd.f32 v18, v13;
	v14 =	vadd.f32 v15, v14;
	v15 =	vand.u32 $0xFFFF0000, v0;
	v0 =	vmovc v17;
	v10 =	vld [tilespmem:s25+$0x7490];
	v3 =	vmovc v22  }
0xdd: {  	v6 =	vadd.f32 v6, v11  }
0xde: {  	v7 =	vadd.f32 v7, v12;
	v1 =	vand.u32 $0xFFFF0000, v1;
	v12 =	vshll.u32 v3, $0x10  }
0xdf: {  	v3 =	vand.u32 $0xFFFF0000, v3;
	v11 =	vadd.f32 v15, v13;
	v1 =	vadd.f32 v1, v14  }
0xe0: {  	v13 =	vshll.u32 v0, $0x10;
	v15 =	vshll.u32 v4, $0x10;
	v16 =	vshll.u32 v9, $0x10  }
0xe1: {  	v4 =	vand.u32 $0xFFFF0000, v4;
	v9 =	vand.u32 $0xFFFF0000, v9;
	v6 =	vadd.f32 v16, v6  }
0xe2: {  	v0 =	vand.u32 $0xFFFF0000, v0;
	v18 =	vshll.u32 v10, $0x10;
	v9 =	vadd.f32 v9, v11  }
0xe3: {  	v10 =	vand.u32 $0xFFFF0000, v10;
	v7 =	vadd.f32 v18, v7;
	v6 =	vadd.f32 v15, v6  }
0xe4: {  	v17 =	vshll.u32 v5, $0x10;
	v1 =	vadd.f32 v10, v1;
	v4 =	vadd.f32 v4, v9  }
0xe5: {  	v5 =	vand.u32 $0xFFFF0000, v5;
	v7 =	vadd.f32 v17, v7;
	v6 =	vadd.f32 v12, v6  }
0xe6: {  	v16 =	vshll.u32 v8, $0x10;
	v1 =	vadd.f32 v5, v1;
	v3 =	vadd.f32 v3, v4  }
0xe7: {  	v5 =	vadd.f32 v16, v7;
	v7 =	vand.u32 $0xFFFF0000, v8;
	v4 =	vadd.f32 v13, v6  }
0xe8: {  	v14 =	vshll.u32 v2, $0x10;
	v1 =	vadd.f32 v7, v1;
	v0 =	vadd.f32 v0, v3  }
0xe9: {  	s23 =	sshll.u32 s22, $0x7;
	v2 =	vand.u32 $0xFFFF0000, v2;
	v5 =	vadd.f32 v14, v5;
	v3 =	vmul.f32 $4.999999890e-03, v4  }
0xea: {  	s23 =	sand.u32 $0x3FFFFF80, s23;
	v1 =	vadd.f32 v2, v1;
	v0 =	vmul.f32 $4.999999890e-03, v0  }
0xeb: {  	v2 =	vmul.f32 $4.999999890e-03, v5;
	[tilespmem:s23+$0x9A00] =	vst v3  }
0xec: {  	v1 =	vmul.f32 $4.999999890e-03, v1;
	[tilespmem:s23+$0x9A20] =	vst v0  }
0xed: {  	[tilespmem:s23+$0x9A10] =	vst v2  }
0xee: {  	s25 =	sadd.s32 @!p0 $0x208, s24;
	s26 =	simm.s32 @!p0 $0x64;
	s28 =	simm.s32 @!p0 $0x7480;
	[tilespmem:s23+$0x9A30] =	vst v1  }
0xef: {  	[tilespmem:s28], [sflag:$0x2] =	stream.indirect.gather @!p0 [hbm4b:s3+s26], $0x20, s25, s26, $0xb8;
	[tilespmem:$0xBA00] =	vst v63  }
0xf0: {  	_ =	swait.ge [sflag:s18], $0xC80  }
0xf1: {  	[sflag:s18] =	ssyncset.done $0x0  }
0xf2: {  	s30 =	simm.s32 $0x0;
	[sflag:s18] =	ssyncadd.s32 $0xFFFFF380  }
0xf3: {  	v15 =	vld [tilespmem:s30+$0x8160]  }
0xf4: {  	v1 =	vld [tilespmem:s30+$0x8170]  }
0xf5: {  	v9 =	vld [tilespmem:s30+$0x8140]  }
0xf6: {  	v10 =	vld [tilespmem:s30+$0x8150]  }
0xf7: {  	v4 =	vld [tilespmem:s30+$0x8120]  }
0xf8: {  	v5 =	vld [tilespmem:s30+$0x8130]  }
0xf9: {  	v3 =	vld [tilespmem:s30+$0x8100]  }
0xfa: {  	v6 =	vld [tilespmem:s30+$0x8110];
	_ =	sdelay $0x1  }
0xfb: {  	v11 =	vimm.f32 $0.0e+00  }
0xfc: {  	s31 =	simm.s32 $0x80;
	v12 =	vshll.u32 v9, $0x10;
	v7 =	vshll.u32 v15, $0x10;
	v8 =	vshll.u32 v1, $0x10  }
0xfd: {  	v0 =	vld [tilespmem:s31+$0x8160];
	v13 =	vshll.u32 v4, $0x10;
	v14 =	vshll.u32 v5, $0x10;
	v16 =	vshll.u32 v10, $0x10  }
0xfe: {  	v2 =	vld [tilespmem:s31+$0x8170];
	v17 =	vshll.u32 v3, $0x10;
	v60 =	vshll.u32 v6, $0x10;
	v19 =	vand.u32 $0xFFFF0000, v3  }
0xff: {  	v3 =	vld [tilespmem:s31+$0x8140];
	v20 =	vand.u32 $0xFFFF0000, v6;
	v17 =	vadd.f32 v17, v11;
	v18 =	vadd.f32 v60, v11  }
0x100: {  	v6 =	vld [tilespmem:s31+$0x8150];
	v61 =	vand.u32 $0xFFFF0000, v4;
	v19 =	vadd.f32 v19, v11;
	v11 =	vadd.f32 v20, v11  }
0x101: {  	v4 =	vld [tilespmem:s31+$0x8120];
	v13 =	vadd.f32 v13, v17;
	v14 =	vadd.f32 v14, v18;
	v17 =	vand.u32 $0xFFFF0000, v5  }
0x102: {  	v63 =	vand.u32 $0xFFFF0000, v9;
	v9 =	vld [tilespmem:s31+$0x8100];
	v62 =	vadd.f32 v61, v19;
	v17 =	vadd.f32 v17, v11  }
0x103: {  	v5 =	vld [tilespmem:s31+$0x8130];
	v11 =	vadd.f32 v12, v13;
	v12 =	vadd.f32 v16, v14;
	v14 =	vand.u32 $0xFFFF0000, v10  }
0x104: {  	s25 =	simm.s32 $0x400;
	v15 =	vand.u32 $0xFFFF0000, v15;
	v10 =	vld [tilespmem:s31+$0x8110];
	v13 =	vadd.f32 v63, v62;
	v14 =	vadd.f32 v14, v17  }
.LBB2_11:
0x105: {  	p1 =	sne.s32 s25, $0x3000;
	v11 =	vadd.f32 v7, v11;
	v12 =	vadd.f32 v8, v12;
	v7 =	vand.u32 $0xFFFF0000, v1;
	v1 =	vmovc v2;
	v16 =	vmovc v6  }
0x106: {  	v13 =	vadd.f32 v15, v13;
	v14 =	vadd.f32 v7, v14  }
0x107: {  	s26 =	sshra.s32 s25, $0x2;
	v15 =	vshll.u32 v3, $0x10;
	v7 =	vshll.u32 v0, $0x10;
	v8 =	vshll.u32 v1, $0x10  }
0x108: {  	v18 =	vshll.u32 v4, $0x10;
	v20 =	vshll.u32 v16, $0x10;
	v19 =	vshll.u32 v5, $0x10;
	v17 =	vld [tilespmem:s26+$0x8160]  }
0x109: {  	v6 =	vshll.u32 v9, $0x10;
	v9 =	vand.u32 $0xFFFF0000, v9;
	v2 =	vld [tilespmem:s26+$0x8170];
	v21 =	vshll.u32 v10, $0x10  }
0x10a: {  	v11 =	vadd.f32 v6, v11;
	v10 =	vand.u32 $0xFFFF0000, v10;
	v22 =	vld [tilespmem:s26+$0x8140];
	v12 =	vadd.f32 v21, v12  }
.Ltmp6:
0x10b: {  	v9 =	vadd.f32 v9, v13;
	v13 =	vand.u32 $0xFFFF0000, v4;
	v10 =	vadd.f32 v10, v14;
	v6 =	vld [tilespmem:s26+$0x8150];
	(pc) =	sbr.rel @p1 .LBB2_11-.Ltmp6, $4  }
0x10c: {  	v14 =	vand.u32 $0xFFFF0000, v5;
	v11 =	vadd.f32 v18, v11;
	v4 =	vld [tilespmem:s26+$0x8120];
	v12 =	vadd.f32 v19, v12  }
0x10d: {  	v13 =	vadd.f32 v13, v9;
	v18 =	vand.u32 $0xFFFF0000, v3;
	v14 =	vadd.f32 v14, v10;
	v5 =	vld [tilespmem:s26+$0x8130]  }
0x10e: {  	v11 =	vadd.f32 v15, v11;
	v15 =	vand.u32 $0xFFFF0000, v16;
	v9 =	vld [tilespmem:s26+$0x8100];
	v12 =	vadd.f32 v20, v12  }
0x10f: {  	s25 =	sadd.s32 $0x200, s25;
	v13 =	vadd.f32 v18, v13;
	v14 =	vadd.f32 v15, v14;
	v15 =	vand.u32 $0xFFFF0000, v0;
	v0 =	vmovc v17;
	v10 =	vld [tilespmem:s26+$0x8110];
	v3 =	vmovc v22  }
0x110: {  	s24 =	sadd.s32 @!p0 $0x270, s24;
	s25 =	simm.s32 @!p0 $0x64;
	s26 =	simm.s32 @!p0 $0x8100  }
0x111: {  	[tilespmem:s26], [sflag:$0x3] =	stream.indirect.gather @!p0 [hbm4b:s3+s25], $0x20, s24, s25, $0xb8;
	[tilespmem:$0xBA00] =	vst v63  }
0x112: {  	v7 =	vadd.f32 v7, v11;
	_ =	swait.ge [sflag:s19], $0xC80  }
0x113: {  	v8 =	vadd.f32 v8, v12;
	v1 =	vand.u32 $0xFFFF0000, v1;
	v18 =	vshll.u32 v6, $0x10;
	[sflag:s19] =	ssyncset.done $0x0  }
0x114: {  	s30 =	simm.s32 $0x0;
	v6 =	vand.u32 $0xFFFF0000, v6;
	v11 =	vadd.f32 v15, v13;
	v12 =	vadd.f32 v1, v14;
	[sflag:s19] =	ssyncadd.s32 $0xFFFFF380  }
0x115: {  	v13 =	vshll.u32 v3, $0x10;
	v14 =	vshll.u32 v0, $0x10;
	v16 =	vshll.u32 v4, $0x10;
	v19 =	vld [tilespmem:s30+$0x8DE0]  }
0x116: {  	v4 =	vand.u32 $0xFFFF0000, v4;
	v20 =	vshll.u32 v9, $0x10;
	v9 =	vand.u32 $0xFFFF0000, v9;
	v1 =	vld [tilespmem:s30+$0x8DF0]  }
0x117: {  	v21 =	vshll.u32 v10, $0x10;
	v7 =	vadd.f32 v20, v7;
	v10 =	vand.u32 $0xFFFF0000, v10;
	v59 =	vld [tilespmem:s30+$0x8DC0]  }
0x118: {  	v17 =	vshll.u32 v5, $0x10;
	v9 =	vadd.f32 v9, v11;
	v10 =	vadd.f32 v10, v12;
	v60 =	vld [tilespmem:s30+$0x8DD0]  }
0x119: {  	v5 =	vand.u32 $0xFFFF0000, v5;
	v8 =	vadd.f32 v21, v8;
	v11 =	vld [tilespmem:s30+$0x8DA0];
	v7 =	vadd.f32 v16, v7  }
0x11a: {  	v15 =	vshll.u32 v2, $0x10;
	v4 =	vadd.f32 v4, v9;
	v9 =	vld [tilespmem:s30+$0x8DB0];
	v5 =	vadd.f32 v5, v10  }
0x11b: {  	v3 =	vand.u32 $0xFFFF0000, v3;
	v8 =	vadd.f32 v17, v8;
	v10 =	vld [tilespmem:s30+$0x8D80];
	v7 =	vadd.f32 v13, v7  }
0x11c: {  	v0 =	vand.u32 $0xFFFF0000, v0;
	v3 =	vadd.f32 v3, v4;
	v4 =	vadd.f32 v6, v5;
	v5 =	vld [tilespmem:s30+$0x8D90]  }
0x11d: {  	v2 =	vand.u32 $0xFFFF0000, v2;
	v8 =	vadd.f32 v18, v8;
	v12 =	vadd.f32 v14, v7  }
0x11e: {  	v13 =	vadd.f32 v0, v3;
	v14 =	vshll.u32 v59, $0x10;
	v6 =	vshll.u32 v19, $0x10  }
0x11f: {  	s31 =	simm.s32 $0x80;
	v7 =	vshll.u32 v1, $0x10;
	v17 =	vshll.u32 v60, $0x10;
	v8 =	vadd.f32 v15, v8  }
0x120: {  	v0 =	vld [tilespmem:s31+$0x8DE0];
	v4 =	vadd.f32 v2, v4;
	v15 =	vshll.u32 v11, $0x10;
	v16 =	vshll.u32 v9, $0x10  }
0x121: {  	v3 =	vld [tilespmem:s31+$0x8DC0];
	v61 =	vshll.u32 v10, $0x10;
	v10 =	vand.u32 $0xFFFF0000, v10;
	v22 =	vshll.u32 v5, $0x10  }
0x122: {  	v2 =	vld [tilespmem:s31+$0x8DF0];
	v12 =	vadd.f32 v61, v12;
	v5 =	vand.u32 $0xFFFF0000, v5;
	v62 =	vadd.f32 v22, v8  }
0x123: {  	v11 =	vand.u32 $0xFFFF0000, v11;
	v10 =	vadd.f32 v10, v13;
	v8 =	vld [tilespmem:s31+$0x8DD0];
	v13 =	vadd.f32 v5, v4  }
0x124: {  	v9 =	vand.u32 $0xFFFF0000, v9;
	v4 =	vld [tilespmem:s31+$0x8DA0];
	v12 =	vadd.f32 v15, v12;
	v15 =	vadd.f32 v16, v62  }
0x125: {  	v5 =	vld [tilespmem:s31+$0x8DB0];
	v16 =	vadd.f32 v11, v10;
	v63 =	vadd.f32 v9, v13;
	v13 =	vand.u32 $0xFFFF0000, v59  }
0x126: {  	v9 =	vld [tilespmem:s31+$0x8D80];
	v11 =	vadd.f32 v14, v12;
	v14 =	vand.u32 $0xFFFF0000, v60;
	v12 =	vadd.f32 v17, v15  }
0x127: {  	s24 =	simm.s32 $0x400;
	v10 =	vld [tilespmem:s31+$0x8D90];
	v13 =	vadd.f32 v13, v16;
	v14 =	vadd.f32 v14, v63;
	v15 =	vand.u32 $0xFFFF0000, v19  }
.LBB2_13:
0x128: {  	p1 =	sne.s32 s24, $0x3000;
	v11 =	vadd.f32 v6, v11;
	v12 =	vadd.f32 v7, v12;
	v6 =	vand.u32 $0xFFFF0000, v1;
	v1 =	vmovc v2;
	v16 =	vmovc v8  }
0x129: {  	v13 =	vadd.f32 v15, v13;
	v14 =	vadd.f32 v6, v14  }
0x12a: {  	s25 =	sshra.s32 s24, $0x2;
	v15 =	vshll.u32 v3, $0x10;
	v6 =	vshll.u32 v0, $0x10;
	v7 =	vshll.u32 v1, $0x10  }
0x12b: {  	v18 =	vshll.u32 v4, $0x10;
	v20 =	vshll.u32 v16, $0x10;
	v19 =	vshll.u32 v5, $0x10;
	v17 =	vld [tilespmem:s25+$0x8DE0]  }
0x12c: {  	v8 =	vshll.u32 v9, $0x10;
	v9 =	vand.u32 $0xFFFF0000, v9;
	v2 =	vld [tilespmem:s25+$0x8DF0];
	v21 =	vshll.u32 v10, $0x10  }
0x12d: {  	v11 =	vadd.f32 v8, v11;
	v10 =	vand.u32 $0xFFFF0000, v10;
	v22 =	vld [tilespmem:s25+$0x8DC0];
	v12 =	vadd.f32 v21, v12  }
.Ltmp7:
0x12e: {  	v9 =	vadd.f32 v9, v13;
	v13 =	vand.u32 $0xFFFF0000, v4;
	v10 =	vadd.f32 v10, v14;
	v8 =	vld [tilespmem:s25+$0x8DD0];
	(pc) =	sbr.rel @p1 .LBB2_13-.Ltmp7, $4  }
0x12f: {  	v14 =	vand.u32 $0xFFFF0000, v5;
	v11 =	vadd.f32 v18, v11;
	v4 =	vld [tilespmem:s25+$0x8DA0];
	v12 =	vadd.f32 v19, v12  }
0x130: {  	v13 =	vadd.f32 v13, v9;
	v18 =	vand.u32 $0xFFFF0000, v3;
	v14 =	vadd.f32 v14, v10;
	v5 =	vld [tilespmem:s25+$0x8DB0]  }
0x131: {  	v11 =	vadd.f32 v15, v11;
	v15 =	vand.u32 $0xFFFF0000, v16;
	v9 =	vld [tilespmem:s25+$0x8D80];
	v12 =	vadd.f32 v20, v12  }
0x132: {  	s24 =	sadd.s32 $0x200, s24;
	v13 =	vadd.f32 v18, v13;
	v14 =	vadd.f32 v15, v14;
	v15 =	vand.u32 $0xFFFF0000, v0;
	v0 =	vmovc v17;
	v10 =	vld [tilespmem:s25+$0x8D90];
	v3 =	vmovc v22  }
0x133: {  	v6 =	vadd.f32 v6, v11  }
0x134: {  	v7 =	vadd.f32 v7, v12;
	v1 =	vand.u32 $0xFFFF0000, v1;
	v47 =	vshll.u32 v3, $0x10  }
0x135: {  	v48 =	vshll.u32 v0, $0x10;
	v51 =	vshll.u32 v8, $0x10;
	v56 =	vand.u32 $0xFFFF0000, v3  }
0x136: {  	v46 =	vadd.f32 v15, v13;
	v1 =	vadd.f32 v1, v14;
	v16 =	vshll.u32 v9, $0x10  }
0x137: {  	v50 =	vshll.u32 v4, $0x10;
	v52 =	vand.u32 $0xFFFF0000, v9;
	v6 =	vadd.f32 v16, v6  }
0x138: {  	v54 =	vand.u32 $0xFFFF0000, v4;
	v18 =	vshll.u32 v10, $0x10;
	v9 =	vadd.f32 v52, v46  }
0x139: {  	v53 =	vand.u32 $0xFFFF0000, v10;
	v7 =	vadd.f32 v18, v7;
	v6 =	vadd.f32 v50, v6  }
0x13a: {  	v17 =	vshll.u32 v5, $0x10;
	v1 =	vadd.f32 v53, v1;
	v4 =	vadd.f32 v54, v9  }
0x13b: {  	v55 =	vand.u32 $0xFFFF0000, v5;
	v7 =	vadd.f32 v17, v7;
	v6 =	vadd.f32 v47, v6  }
0x13c: {  	v58 =	vand.u32 $0xFFFF0000, v8;
	v1 =	vadd.f32 v55, v1;
	v3 =	vadd.f32 v56, v4  }
0x13d: {  	v60 =	vand.u32 $0xFFFF0000, v0;
	v57 =	vadd.f32 v51, v7;
	v59 =	vadd.f32 v48, v6  }
0x13e: {  	v49 =	vshll.u32 v2, $0x10;
	v1 =	vadd.f32 v58, v1;
	v0 =	vadd.f32 v60, v3  }
0x13f: {  	v61 =	vand.u32 $0xFFFF0000, v2;
	v5 =	vadd.f32 v49, v57;
	v62 =	vmul.f32 $4.999999890e-03, v59  }
.Ltmp8:
0x140: {  	v1 =	vadd.f32 v61, v1;
	v0 =	vmul.f32 $4.999999890e-03, v0;
	(pc) =	sbr.rel @p0 .LBB2_16-.Ltmp8, $4  }
0x141: {  	v63 =	vmul.f32 $4.999999890e-03, v5;
	[tilespmem:s23+$0x9A40] =	vst v62  }
0x142: {  	v1 =	vmul.f32 $4.999999890e-03, v1;
	[tilespmem:s23+$0x9A60] =	vst v0  }
0x143: {  	[tilespmem:s23+$0x9A50] =	vst v63  }
0x144: {  	[tilespmem:s23+$0x9A70] =	vst v1  }
0x145: {  	s23 =	smul.u32 $0x680, s22  }
.Ltmp9:
0x146: {  	_ = 	snop;
	(pc) =	sbr.rel .LBB2_6-.Ltmp9, $4  }
0x147: {  	_ = 	snop  }
0x148: {  	s23 =	sshra.s32 s23, $0x2  }
0x149: {  	s22 =	sadd.s32 $0x1, s22;
	s23 =	sadd.s32 $0x2D8, s23  }
0x14a: {  	[tilespmem:s15], [sflag:$0x4] =	stream.indirect.gather [hbm4b:s3+s8], $0x20, s23, s8, $0xb8;
	[tilespmem:$0xBA00] =	vst v63  }
.LBB2_17:
0x14b: {  	_ =	sfence.sel $0x180000  }
0x14c: {  	[bflag:$0x0] =	sbarrier.arrive $0xFFFF  }
0x14d: {  	p0 =	sne.s32 s1, $0x0;
	_ =	strace $0x90000047  }
0x14e: {  	s0 =	sadd.s32 @!p0 $0x100000, s0;
	[bflag:$0x2] =	sbarrier.arrive $0xFFFF  }
0x14f: {  	[sflag:s0] =	ssyncadd.tile.s32 @!p0 $0x1;
	_ =	shalt  }
.Lfunc_end2:
_tile_overlayer_lowered:
.L_overlay_start_2:
0x150: {  	(tag) =	ssettag $0x2  }
0x151: {  	s0 =	rddreg [dreg:$0x0];
	s2 =	stileid.u32  }
0x152: {  	s1 =	rddreg [dreg:$0x1];
	p0 =	sne.s32 s2, $0x0  }
0x153: {  	s3 =	rddreg [dreg:$0x2];
	[bflag:$0x3] =	sbarrier.arrive $0xFFFF;
	s2 =	simm.s32 @!p0 $0x1C05  }
0x154: {  	[timem:s3], [sflag:s2] =	dma.local @!p0 [hbm:s0], s1  }
0x155: {  	s0 =	simm.s32 @!p0 $0x5  }
0x156: {  	_ =	swait.ge @!p0 [sflag:s0], s1  }
0x157: {  	s1 =	ssub.s32 @!p0 $0x0, s1;
	[sflag:s0] =	ssyncset.done @!p0 $0x0  }
0x158: {  	[sflag:s0] =	ssyncadd.s32 @!p0 s1  }
0x159: {  	[bflag:$0x3] =	sbarrier.arrive $0xFFFF  }
0x15a: {  	_ =	shalt  }

</sc_bundles>
